<compile_context>
chip_gen: v7x
topology: tpu7x:2x2x1
jax: 0.10.2.dev20260603
libtpu: 0.0.44.dev20260713+nightly
codegen_flags: <defaults>
</compile_context>

<pallas_src>
import functools

import jax
import jax.numpy as jnp
from jax import lax
from jax.experimental import pallas as pl
from jax.experimental.pallas import tpu as pltpu
from jax.experimental.pallas import tpu_sc as plsc

D = 64
NC, NS = 2, 16
NW = NC * NS
SUB = 128
NSUB = 2
CHUNK = SUB * NSUB
NBUF = 4


@functools.partial(jax.jit, static_argnums=(2,))
def _gather(W, ids2d, B):
    b_per_w = B // NW
    n_chunks = b_per_w // CHUNK
    assert n_chunks % NBUF == 0 and n_chunks >= 2 * NBUF

    mesh = plsc.VectorSubcoreMesh(core_axis_name="c", subcore_axis_name="s")

    @functools.partial(
        pl.kernel,
        out_type=jax.ShapeDtypeStruct((B, 2 * D), jnp.float32),
        mesh=mesh,
        scratch_types=[
            pltpu.VMEM((NBUF, NSUB, SUB), jnp.int32),
            pltpu.VMEM((NBUF, CHUNK, D), jnp.float32),
            pltpu.SemaphoreType.DMA((NBUF,)),
            pltpu.SemaphoreType.DMA((NBUF,)),
            pltpu.SemaphoreType.DMA((NBUF,)),
        ],
        compiler_params=pltpu.CompilerParams(use_tc_tiling_on_sc=False),
    )
    def body(table_hbm, ids_hbm, out_hbm, idx_v, rows_v, isem, gsem, osem):
        wid = lax.axis_index("s") * NC + lax.axis_index("c")
        idx_row0 = wid * (b_per_w // SUB)
        out_row0 = wid * b_per_w

        def idx_cp(b, g):
            r0 = idx_row0 + g * NSUB
            return pltpu.make_async_copy(
                ids_hbm.at[pl.ds(r0, NSUB)], idx_v.at[b], isem.at[b])

        def gath_cp(b, j):
            return pltpu.make_async_copy(
                table_hbm.at[idx_v.at[b, j]],
                rows_v.at[b, pl.ds(j * SUB, SUB)], gsem.at[b])

        def store_cp(b, g):
            o0 = out_row0 + g * CHUNK
            return pltpu.make_async_copy(
                rows_v.at[b],
                out_hbm.at[pl.ds(o0, CHUNK), pl.ds(0, D)], osem.at[b])

        def stage_b(b, g):
            store_cp(b, g - NBUF).wait()
            idx_cp(b, g).wait()
            for j in range(NSUB):
                gath_cp(b, j).start()

        def stage_c(b, g):
            for j in range(NSUB):
                gath_cp(b, j).wait()
            store_cp(b, g).start()
            idx_cp(b, (g + NBUF) % n_chunks).start()

        for b in range(NBUF):
            idx_cp(b, b).start()
        for b in range(NBUF):
            idx_cp(b, b).wait()
            for j in range(NSUB):
                gath_cp(b, j).start()
        for b in range(2):
            stage_c(b, b)

        def step(s, carry):
            for k in range(NBUF):
                g = NBUF * s + 2 + k
                stage_b(k, g + 2)
                stage_c((2 + k) % NBUF, g)
            return carry

        lax.fori_loop(0, (n_chunks - NBUF) // NBUF, step, 0)

        for k in range(2):
            g = n_chunks - 2 + k
            stage_c(g % NBUF, g)
        for b in range(NBUF):
            g = n_chunks - NBUF + b
            store_cp(b, g).wait()
            idx_cp(b, b).wait()

    return body(W, ids2d)[:, :D]


def kernel(input, W):
    flat = input.reshape(-1).astype(jnp.int32) * 2
    B = flat.shape[0]
    ids2d = flat.reshape(B // SUB, SUB)
    V = W.shape[0]
    W2 = jnp.pad(W.reshape(V // 8, 8, D),
                 ((0, 0), (0, 0), (0, D))).reshape(2 * V, D)
    return _gather(W2, ids2d, B)

# --- scband reference (transcript-rebuilt; emitter-appended) ---
"""Pipeline reference for scband-online-embedding-64484638982170 (READ-ONLY COPY).

The authoritative reference and input builder live on the scoring server;
editing this copy changes nothing except your own understanding.
"""

import jax, jax.numpy as jnp
import numpy as np

VOCAB = 1000000
EMBED_DIM = 64
BATCH = 4096
HIST = 200

def setup_inputs(seed: int = 0) -> dict:
    key = jax.random.key(seed)
    k_ids, k_w = jax.random.split(key)
    ids = jax.random.randint(k_ids, (BATCH, HIST), 0, VOCAB, dtype=jnp.int64 if jax.config.jax_enable_x64 else jnp.int32)
    # The OnlineParameter's merlin_kv hashtable is modeled as a dense table W;
    # find(ids) -> gather rows keyed by id (modular hash for in-range mapping).
    W = jax.random.normal(k_w, (VOCAB, EMBED_DIM), dtype=jnp.float32)
    return {"input": ids, "W": W}

def reference(input, W):
    # OnlineEmbedding.forward:
    #   weight.data <- hashtable.find(ids)  (modeled as gather from dense table W)
    #   continue_input = arange(ids.numel())
    #   return F.embedding(continue_input, weight.data)
    flat_ids = input.reshape(-1)
    data = jnp.take(W, flat_ids % W.shape[0], axis=0)  # [N, embedding_dim]
    continue_input = jnp.arange(flat_ids.shape[0])
    out = jnp.take(data, continue_input, axis=0)
    return out

if __name__ == "__main__":
    import jax
    _d = setup_inputs()
    print(jax.jit(kernel)(*tuple(_d.values())))

</pallas_src>

<mosaic_0001>
#map = affine_map<(d0, d1) -> (0, 0)>
module attributes {stable_mosaic.version = 14 : i64} {
  func.func @body(%arg0: i32, %arg1: i32, %arg2: memref<2000000x64xf32, #tpu.memory_space<hbm>>, %arg3: memref<6400x128xi32, #tpu.memory_space<hbm>>, %arg4: memref<819200x128xf32, #tpu.memory_space<hbm>>, %arg5: memref<4x2x128xi32, #tpu.memory_space<vmem>>, %arg6: memref<4x256x64xf32, #tpu.memory_space<vmem>>, %arg7: memref<4x!tpu.dma_semaphore, #tpu.memory_space<semaphore_mem>>, %arg8: memref<4x!tpu.dma_semaphore, #tpu.memory_space<semaphore_mem>>, %arg9: memref<4x!tpu.dma_semaphore, #tpu.memory_space<semaphore_mem>>) attributes {dimension_semantics = [#tpu.dimension_semantics<core_parallel>, #tpu.dimension_semantics<subcore_parallel>], iteration_bounds = array<i64: 2, 16>, scalar_prefetch = 0 : i64, scratch_operands = 5 : i64, tpu.core_type = #tpu.core_type<sc_vector_subcore>, window_params = [{transform_indices = #map}, {transform_indices = #map}, {transform_indices = #map}]} {
    %mul3A = arith.constant 2 : i32
    %mul3A_0 = arith.muli %arg1, %mul3A : i32
    %add3A = arith.addi %mul3A_0, %arg0 : i32
    %mul3A_1 = arith.constant 200 : i32
    %mul3A_2 = arith.muli %add3A, %mul3A_1 : i32
    %mul3A_3 = arith.constant 25600 : i32
    %mul3A_4 = arith.muli %add3A, %mul3A_3 : i32
    %add3A_5 = arith.constant 0 : i32
    %add3A_6 = arith.addi %mul3A_2, %add3A_5 : i32
    %dma_start3A = arith.constant 0 : i32
    %dma_start3A_7 = arith.constant 0 : i32
    %dma_start3A_8 = arith.constant 0 : i32
    %dma_start3A_9 = arith.constant 0 : i32
    %dma_start3A_10 = tpu.memref_slice %arg5[%dma_start3A, %dma_start3A_8, %dma_start3A_9] : memref<4x2x128xi32, #tpu.memory_space<vmem>> -> memref<1x2x128xi32, #tpu.memory_space<vmem>>
    %dma_start3A_11 = tpu.memref_squeeze %dma_start3A_10 : memref<1x2x128xi32, #tpu.memory_space<vmem>> -> memref<2x128xi32, #tpu.memory_space<vmem>>
    %dma_start3A_12 = arith.constant 0 : i32
    %dma_start3A_13 = tpu.memref_slice %arg3[%add3A_6, %dma_start3A_12] : memref<6400x128xi32, #tpu.memory_space<hbm>> -> memref<2x128xi32, #tpu.memory_space<hbm>>
    %dma_start3A_14 = tpu.memref_slice %arg7[%dma_start3A_7] : memref<4x!tpu.dma_semaphore, #tpu.memory_space<semaphore_mem>> -> memref<1x!tpu.dma_semaphore, #tpu.memory_space<semaphore_mem>>
    %dma_start3A_15 = tpu.memref_squeeze %dma_start3A_14 : memref<1x!tpu.dma_semaphore, #tpu.memory_space<semaphore_mem>> -> memref<!tpu.dma_semaphore, #tpu.memory_space<semaphore_mem>>
    %dma_start3A_16 = arith.constant 0 : i32
    %dma_start3A_17 = arith.constant 0 : i32
    %dma_start3A_18 = tpu.memref_slice %arg5[%dma_start3A, %dma_start3A_16, %dma_start3A_17] : memref<4x2x128xi32, #tpu.memory_space<vmem>> -> memref<1x2x128xi32, #tpu.memory_space<vmem>>
    %dma_start3A_19 = tpu.memref_squeeze %dma_start3A_18 : memref<1x2x128xi32, #tpu.memory_space<vmem>> -> memref<2x128xi32, #tpu.memory_space<vmem>>
    %dma_start3A_20 = arith.constant 0 : i32
    %dma_start3A_21 = tpu.memref_slice %arg3[%add3A_6, %dma_start3A_20] : memref<6400x128xi32, #tpu.memory_space<hbm>> -> memref<2x128xi32, #tpu.memory_space<hbm>>
    tpu.enqueue_dma source(%dma_start3A_21 : memref<2x128xi32, #tpu.memory_space<hbm>>) target(%dma_start3A_19 : memref<2x128xi32, #tpu.memory_space<vmem>>) target_semaphore(%dma_start3A_15 : memref<!tpu.dma_semaphore, #tpu.memory_space<semaphore_mem>>)
    %add3A_22 = arith.constant 2 : i32
    %add3A_23 = arith.addi %mul3A_2, %add3A_22 : i32
    %dma_start3A_24 = arith.constant 1 : i32
    %dma_start3A_25 = arith.constant 1 : i32
    %dma_start3A_26 = arith.constant 0 : i32
    %dma_start3A_27 = arith.constant 0 : i32
    %dma_start3A_28 = tpu.memref_slice %arg5[%dma_start3A_24, %dma_start3A_26, %dma_start3A_27] : memref<4x2x128xi32, #tpu.memory_space<vmem>> -> memref<1x2x128xi32, #tpu.memory_space<vmem>>
    %dma_start3A_29 = tpu.memref_squeeze %dma_start3A_28 : memref<1x2x128xi32, #tpu.memory_space<vmem>> -> memref<2x128xi32, #tpu.memory_space<vmem>>
    %dma_start3A_30 = arith.constant 0 : i32
    %dma_start3A_31 = tpu.memref_slice %arg3[%add3A_23, %dma_start3A_30] : memref<6400x128xi32, #tpu.memory_space<hbm>> -> memref<2x128xi32, #tpu.memory_space<hbm>>
    %dma_start3A_32 = tpu.memref_slice %arg7[%dma_start3A_25] : memref<4x!tpu.dma_semaphore, #tpu.memory_space<semaphore_mem>> -> memref<1x!tpu.dma_semaphore, #tpu.memory_space<semaphore_mem>>
    %dma_start3A_33 = tpu.memref_squeeze %dma_start3A_32 : memref<1x!tpu.dma_semaphore, #tpu.memory_space<semaphore_mem>> -> memref<!tpu.dma_semaphore, #tpu.memory_space<semaphore_mem>>
    %dma_start3A_34 = arith.constant 0 : i32
    %dma_start3A_35 = arith.constant 0 : i32
    %dma_start3A_36 = tpu.memref_slice %arg5[%dma_start3A_24, %dma_start3A_34, %dma_start3A_35] : memref<4x2x128xi32, #tpu.memory_space<vmem>> -> memref<1x2x128xi32, #tpu.memory_space<vmem>>
    %dma_start3A_37 = tpu.memref_squeeze %dma_start3A_36 : memref<1x2x128xi32, #tpu.memory_space<vmem>> -> memref<2x128xi32, #tpu.memory_space<vmem>>
    %dma_start3A_38 = arith.constant 0 : i32
    %dma_start3A_39 = tpu.memref_slice %arg3[%add3A_23, %dma_start3A_38] : memref<6400x128xi32, #tpu.memory_space<hbm>> -> memref<2x128xi32, #tpu.memory_space<hbm>>
    tpu.enqueue_dma source(%dma_start3A_39 : memref<2x128xi32, #tpu.memory_space<hbm>>) target(%dma_start3A_37 : memref<2x128xi32, #tpu.memory_space<vmem>>) target_semaphore(%dma_start3A_33 : memref<!tpu.dma_semaphore, #tpu.memory_space<semaphore_mem>>)
    %add3A_40 = arith.constant 4 : i32
    %add3A_41 = arith.addi %mul3A_2, %add3A_40 : i32
    %dma_start3A_42 = arith.constant 2 : i32
    %dma_start3A_43 = arith.constant 2 : i32
    %dma_start3A_44 = arith.constant 0 : i32
    %dma_start3A_45 = arith.constant 0 : i32
    %dma_start3A_46 = tpu.memref_slice %arg5[%dma_start3A_42, %dma_start3A_44, %dma_start3A_45] : memref<4x2x128xi32, #tpu.memory_space<vmem>> -> memref<1x2x128xi32, #tpu.memory_space<vmem>>
    %dma_start3A_47 = tpu.memref_squeeze %dma_start3A_46 : memref<1x2x128xi32, #tpu.memory_space<vmem>> -> memref<2x128xi32, #tpu.memory_space<vmem>>
    %dma_start3A_48 = arith.constant 0 : i32
    %dma_start3A_49 = tpu.memref_slice %arg3[%add3A_41, %dma_start3A_48] : memref<6400x128xi32, #tpu.memory_space<hbm>> -> memref<2x128xi32, #tpu.memory_space<hbm>>
    %dma_start3A_50 = tpu.memref_slice %arg7[%dma_start3A_43] : memref<4x!tpu.dma_semaphore, #tpu.memory_space<semaphore_mem>> -> memref<1x!tpu.dma_semaphore, #tpu.memory_space<semaphore_mem>>
    %dma_start3A_51 = tpu.memref_squeeze %dma_start3A_50 : memref<1x!tpu.dma_semaphore, #tpu.memory_space<semaphore_mem>> -> memref<!tpu.dma_semaphore, #tpu.memory_space<semaphore_mem>>
    %dma_start3A_52 = arith.constant 0 : i32
    %dma_start3A_53 = arith.constant 0 : i32
    %dma_start3A_54 = tpu.memref_slice %arg5[%dma_start3A_42, %dma_start3A_52, %dma_start3A_53] : memref<4x2x128xi32, #tpu.memory_space<vmem>> -> memref<1x2x128xi32, #tpu.memory_space<vmem>>
    %dma_start3A_55 = tpu.memref_squeeze %dma_start3A_54 : memref<1x2x128xi32, #tpu.memory_space<vmem>> -> memref<2x128xi32, #tpu.memory_space<vmem>>
    %dma_start3A_56 = arith.constant 0 : i32
    %dma_start3A_57 = tpu.memref_slice %arg3[%add3A_41, %dma_start3A_56] : memref<6400x128xi32, #tpu.memory_space<hbm>> -> memref<2x128xi32, #tpu.memory_space<hbm>>
    tpu.enqueue_dma source(%dma_start3A_57 : memref<2x128xi32, #tpu.memory_space<hbm>>) target(%dma_start3A_55 : memref<2x128xi32, #tpu.memory_space<vmem>>) target_semaphore(%dma_start3A_51 : memref<!tpu.dma_semaphore, #tpu.memory_space<semaphore_mem>>)
    %add3A_58 = arith.constant 6 : i32
    %add3A_59 = arith.addi %mul3A_2, %add3A_58 : i32
    %dma_start3A_60 = arith.constant 3 : i32
    %dma_start3A_61 = arith.constant 3 : i32
    %dma_start3A_62 = arith.constant 0 : i32
    %dma_start3A_63 = arith.constant 0 : i32
    %dma_start3A_64 = tpu.memref_slice %arg5[%dma_start3A_60, %dma_start3A_62, %dma_start3A_63] : memref<4x2x128xi32, #tpu.memory_space<vmem>> -> memref<1x2x128xi32, #tpu.memory_space<vmem>>
    %dma_start3A_65 = tpu.memref_squeeze %dma_start3A_64 : memref<1x2x128xi32, #tpu.memory_space<vmem>> -> memref<2x128xi32, #tpu.memory_space<vmem>>
    %dma_start3A_66 = arith.constant 0 : i32
    %dma_start3A_67 = tpu.memref_slice %arg3[%add3A_59, %dma_start3A_66] : memref<6400x128xi32, #tpu.memory_space<hbm>> -> memref<2x128xi32, #tpu.memory_space<hbm>>
    %dma_start3A_68 = tpu.memref_slice %arg7[%dma_start3A_61] : memref<4x!tpu.dma_semaphore, #tpu.memory_space<semaphore_mem>> -> memref<1x!tpu.dma_semaphore, #tpu.memory_space<semaphore_mem>>
    %dma_start3A_69 = tpu.memref_squeeze %dma_start3A_68 : memref<1x!tpu.dma_semaphore, #tpu.memory_space<semaphore_mem>> -> memref<!tpu.dma_semaphore, #tpu.memory_space<semaphore_mem>>
    %dma_start3A_70 = arith.constant 0 : i32
    %dma_start3A_71 = arith.constant 0 : i32
    %dma_start3A_72 = tpu.memref_slice %arg5[%dma_start3A_60, %dma_start3A_70, %dma_start3A_71] : memref<4x2x128xi32, #tpu.memory_space<vmem>> -> memref<1x2x128xi32, #tpu.memory_space<vmem>>
    %dma_start3A_73 = tpu.memref_squeeze %dma_start3A_72 : memref<1x2x128xi32, #tpu.memory_space<vmem>> -> memref<2x128xi32, #tpu.memory_space<vmem>>
    %dma_start3A_74 = arith.constant 0 : i32
    %dma_start3A_75 = tpu.memref_slice %arg3[%add3A_59, %dma_start3A_74] : memref<6400x128xi32, #tpu.memory_space<hbm>> -> memref<2x128xi32, #tpu.memory_space<hbm>>
    tpu.enqueue_dma source(%dma_start3A_75 : memref<2x128xi32, #tpu.memory_space<hbm>>) target(%dma_start3A_73 : memref<2x128xi32, #tpu.memory_space<vmem>>) target_semaphore(%dma_start3A_69 : memref<!tpu.dma_semaphore, #tpu.memory_space<semaphore_mem>>)
    %add3A_76 = arith.constant 0 : i32
    %add3A_77 = arith.addi %mul3A_2, %add3A_76 : i32
    %dma_wait3A = arith.constant 0 : i32
    %dma_wait3A_78 = arith.constant 0 : i32
    %dma_wait3A_79 = arith.constant 0 : i32
    %dma_wait3A_80 = arith.constant 0 : i32
    %dma_wait3A_81 = tpu.memref_slice %arg5[%dma_wait3A, %dma_wait3A_79, %dma_wait3A_80] : memref<4x2x128xi32, #tpu.memory_space<vmem>> -> memref<1x2x128xi32, #tpu.memory_space<vmem>>
    %dma_wait3A_82 = tpu.memref_squeeze %dma_wait3A_81 : memref<1x2x128xi32, #tpu.memory_space<vmem>> -> memref<2x128xi32, #tpu.memory_space<vmem>>
    %dma_wait3A_83 = arith.constant 0 : i32
    %dma_wait3A_84 = tpu.memref_slice %arg3[%add3A_77, %dma_wait3A_83] : memref<6400x128xi32, #tpu.memory_space<hbm>> -> memref<2x128xi32, #tpu.memory_space<hbm>>
    %dma_wait3A_85 = tpu.memref_slice %arg7[%dma_wait3A_78] : memref<4x!tpu.dma_semaphore, #tpu.memory_space<semaphore_mem>> -> memref<1x!tpu.dma_semaphore, #tpu.memory_space<semaphore_mem>>
    %dma_wait3A_86 = tpu.memref_squeeze %dma_wait3A_85 : memref<1x!tpu.dma_semaphore, #tpu.memory_space<semaphore_mem>> -> memref<!tpu.dma_semaphore, #tpu.memory_space<semaphore_mem>>
    %dma_wait3A_87 = arith.constant 0 : i32
    %dma_wait3A_88 = arith.constant 0 : i32
    %dma_wait3A_89 = tpu.memref_slice %arg5[%dma_wait3A, %dma_wait3A_87, %dma_wait3A_88] : memref<4x2x128xi32, #tpu.memory_space<vmem>> -> memref<1x2x128xi32, #tpu.memory_space<vmem>>
    %dma_wait3A_90 = tpu.memref_squeeze %dma_wait3A_89 : memref<1x2x128xi32, #tpu.memory_space<vmem>> -> memref<2x128xi32, #tpu.memory_space<vmem>>
    %dma_wait3A_91 = arith.constant 0 : i32
    %dma_wait3A_92 = tpu.memref_slice %arg3[%add3A_77, %dma_wait3A_91] : memref<6400x128xi32, #tpu.memory_space<hbm>> -> memref<2x128xi32, #tpu.memory_space<hbm>>
    tpu.wait_dma2 semaphore(%dma_wait3A_86 : memref<!tpu.dma_semaphore, #tpu.memory_space<semaphore_mem>>) src(%dma_wait3A_92 : memref<2x128xi32, #tpu.memory_space<hbm>>) dst(%dma_wait3A_90 : memref<2x128xi32, #tpu.memory_space<vmem>>)
    %dma_start3A_93 = arith.constant 0 : i32
    %dma_start3A_94 = arith.constant 0 : i32
    %dma_start3A_95 = arith.constant 0 : i32
    %dma_start3A_96 = arith.constant 0 : i32
    %dma_start3A_97 = arith.constant 0 : i32
    %dma_start3A_98 = arith.constant 0 : i32
    %dma_start3A_99 = tpu.memref_slice %arg6[%dma_start3A_95, %dma_start3A_97, %dma_start3A_98] : memref<4x256x64xf32, #tpu.memory_space<vmem>> -> memref<1x128x64xf32, #tpu.memory_space<vmem>>
    %dma_start3A_100 = tpu.memref_squeeze %dma_start3A_99 : memref<1x128x64xf32, #tpu.memory_space<vmem>> -> memref<128x64xf32, #tpu.memory_space<vmem>>
    %dma_start3A_101 = arith.constant 0 : i32
    %dma_start3A_102 = tpu.memref_slice %arg5[%dma_start3A_93, %dma_start3A_94, %dma_start3A_101] : memref<4x2x128xi32, #tpu.memory_space<vmem>> -> memref<1x1x128xi32, #tpu.memory_space<vmem>>
    %dma_start3A_103 = tpu.memref_squeeze %dma_start3A_102 : memref<1x1x128xi32, #tpu.memory_space<vmem>> -> memref<128xi32, #tpu.memory_space<vmem>>
    %dma_start3A_104 = arith.constant 0 : i32
    %dma_start3A_105 = arith.constant 0 : i32
    %dma_start3A_106 = tpu.memref_slice %arg2[%dma_start3A_104, %dma_start3A_105] : memref<2000000x64xf32, #tpu.memory_space<hbm>> -> memref<2000000x64xf32, #tpu.memory_space<hbm>>
    %dma_start3A_107 = tpu.memref_slice %arg8[%dma_start3A_96] : memref<4x!tpu.dma_semaphore, #tpu.memory_space<semaphore_mem>> -> memref<1x!tpu.dma_semaphore, #tpu.memory_space<semaphore_mem>>
    %dma_start3A_108 = tpu.memref_squeeze %dma_start3A_107 : memref<1x!tpu.dma_semaphore, #tpu.memory_space<semaphore_mem>> -> memref<!tpu.dma_semaphore, #tpu.memory_space<semaphore_mem>>
    tpu.enqueue_indirect_dma source(%dma_start3A_106 : memref<2000000x64xf32, #tpu.memory_space<hbm>>) target(%dma_start3A_100 : memref<128x64xf32, #tpu.memory_space<vmem>>) offsets(%dma_start3A_103 : memref<128xi32, #tpu.memory_space<vmem>>) semaphore(%dma_start3A_108 : memref<!tpu.dma_semaphore, #tpu.memory_space<semaphore_mem>>)
    %dma_start3A_109 = arith.constant 0 : i32
    %dma_start3A_110 = arith.constant 1 : i32
    %dma_start3A_111 = arith.constant 0 : i32
    %dma_start3A_112 = arith.constant 0 : i32
    %dma_start3A_113 = arith.constant 128 : i32
    %dma_start3A_114 = arith.constant 0 : i32
    %dma_start3A_115 = tpu.memref_slice %arg6[%dma_start3A_111, %dma_start3A_113, %dma_start3A_114] : memref<4x256x64xf32, #tpu.memory_space<vmem>> -> memref<1x128x64xf32, #tpu.memory_space<vmem>>
    %dma_start3A_116 = tpu.memref_squeeze %dma_start3A_115 : memref<1x128x64xf32, #tpu.memory_space<vmem>> -> memref<128x64xf32, #tpu.memory_space<vmem>>
    %dma_start3A_117 = arith.constant 0 : i32
    %dma_start3A_118 = tpu.memref_slice %arg5[%dma_start3A_109, %dma_start3A_110, %dma_start3A_117] : memref<4x2x128xi32, #tpu.memory_space<vmem>> -> memref<1x1x128xi32, #tpu.memory_space<vmem>>
    %dma_start3A_119 = tpu.memref_squeeze %dma_start3A_118 : memref<1x1x128xi32, #tpu.memory_space<vmem>> -> memref<128xi32, #tpu.memory_space<vmem>>
    %dma_start3A_120 = arith.constant 0 : i32
    %dma_start3A_121 = arith.constant 0 : i32
    %dma_start3A_122 = tpu.memref_slice %arg2[%dma_start3A_120, %dma_start3A_121] : memref<2000000x64xf32, #tpu.memory_space<hbm>> -> memref<2000000x64xf32, #tpu.memory_space<hbm>>
    %dma_start3A_123 = tpu.memref_slice %arg8[%dma_start3A_112] : memref<4x!tpu.dma_semaphore, #tpu.memory_space<semaphore_mem>> -> memref<1x!tpu.dma_semaphore, #tpu.memory_space<semaphore_mem>>
    %dma_start3A_124 = tpu.memref_squeeze %dma_start3A_123 : memref<1x!tpu.dma_semaphore, #tpu.memory_space<semaphore_mem>> -> memref<!tpu.dma_semaphore, #tpu.memory_space<semaphore_mem>>
    tpu.enqueue_indirect_dma source(%dma_start3A_122 : memref<2000000x64xf32, #tpu.memory_space<hbm>>) target(%dma_start3A_116 : memref<128x64xf32, #tpu.memory_space<vmem>>) offsets(%dma_start3A_119 : memref<128xi32, #tpu.memory_space<vmem>>) semaphore(%dma_start3A_124 : memref<!tpu.dma_semaphore, #tpu.memory_space<semaphore_mem>>)
    %add3A_125 = arith.constant 2 : i32
    %add3A_126 = arith.addi %mul3A_2, %add3A_125 : i32
    %dma_wait3A_127 = arith.constant 1 : i32
    %dma_wait3A_128 = arith.constant 1 : i32
    %dma_wait3A_129 = arith.constant 0 : i32
    %dma_wait3A_130 = arith.constant 0 : i32
    %dma_wait3A_131 = tpu.memref_slice %arg5[%dma_wait3A_127, %dma_wait3A_129, %dma_wait3A_130] : memref<4x2x128xi32, #tpu.memory_space<vmem>> -> memref<1x2x128xi32, #tpu.memory_space<vmem>>
    %dma_wait3A_132 = tpu.memref_squeeze %dma_wait3A_131 : memref<1x2x128xi32, #tpu.memory_space<vmem>> -> memref<2x128xi32, #tpu.memory_space<vmem>>
    %dma_wait3A_133 = arith.constant 0 : i32
    %dma_wait3A_134 = tpu.memref_slice %arg3[%add3A_126, %dma_wait3A_133] : memref<6400x128xi32, #tpu.memory_space<hbm>> -> memref<2x128xi32, #tpu.memory_space<hbm>>
    %dma_wait3A_135 = tpu.memref_slice %arg7[%dma_wait3A_128] : memref<4x!tpu.dma_semaphore, #tpu.memory_space<semaphore_mem>> -> memref<1x!tpu.dma_semaphore, #tpu.memory_space<semaphore_mem>>
    %dma_wait3A_136 = tpu.memref_squeeze %dma_wait3A_135 : memref<1x!tpu.dma_semaphore, #tpu.memory_space<semaphore_mem>> -> memref<!tpu.dma_semaphore, #tpu.memory_space<semaphore_mem>>
    %dma_wait3A_137 = arith.constant 0 : i32
    %dma_wait3A_138 = arith.constant 0 : i32
    %dma_wait3A_139 = tpu.memref_slice %arg5[%dma_wait3A_127, %dma_wait3A_137, %dma_wait3A_138] : memref<4x2x128xi32, #tpu.memory_space<vmem>> -> memref<1x2x128xi32, #tpu.memory_space<vmem>>
    %dma_wait3A_140 = tpu.memref_squeeze %dma_wait3A_139 : memref<1x2x128xi32, #tpu.memory_space<vmem>> -> memref<2x128xi32, #tpu.memory_space<vmem>>
    %dma_wait3A_141 = arith.constant 0 : i32
    %dma_wait3A_142 = tpu.memref_slice %arg3[%add3A_126, %dma_wait3A_141] : memref<6400x128xi32, #tpu.memory_space<hbm>> -> memref<2x128xi32, #tpu.memory_space<hbm>>
    tpu.wait_dma2 semaphore(%dma_wait3A_136 : memref<!tpu.dma_semaphore, #tpu.memory_space<semaphore_mem>>) src(%dma_wait3A_142 : memref<2x128xi32, #tpu.memory_space<hbm>>) dst(%dma_wait3A_140 : memref<2x128xi32, #tpu.memory_space<vmem>>)
    %dma_start3A_143 = arith.constant 1 : i32
    %dma_start3A_144 = arith.constant 0 : i32
    %dma_start3A_145 = arith.constant 1 : i32
    %dma_start3A_146 = arith.constant 1 : i32
    %dma_start3A_147 = arith.constant 0 : i32
    %dma_start3A_148 = arith.constant 0 : i32
    %dma_start3A_149 = tpu.memref_slice %arg6[%dma_start3A_145, %dma_start3A_147, %dma_start3A_148] : memref<4x256x64xf32, #tpu.memory_space<vmem>> -> memref<1x128x64xf32, #tpu.memory_space<vmem>>
    %dma_start3A_150 = tpu.memref_squeeze %dma_start3A_149 : memref<1x128x64xf32, #tpu.memory_space<vmem>> -> memref<128x64xf32, #tpu.memory_space<vmem>>
    %dma_start3A_151 = arith.constant 0 : i32
    %dma_start3A_152 = tpu.memref_slice %arg5[%dma_start3A_143, %dma_start3A_144, %dma_start3A_151] : memref<4x2x128xi32, #tpu.memory_space<vmem>> -> memref<1x1x128xi32, #tpu.memory_space<vmem>>
    %dma_start3A_153 = tpu.memref_squeeze %dma_start3A_152 : memref<1x1x128xi32, #tpu.memory_space<vmem>> -> memref<128xi32, #tpu.memory_space<vmem>>
    %dma_start3A_154 = arith.constant 0 : i32
    %dma_start3A_155 = arith.constant 0 : i32
    %dma_start3A_156 = tpu.memref_slice %arg2[%dma_start3A_154, %dma_start3A_155] : memref<2000000x64xf32, #tpu.memory_space<hbm>> -> memref<2000000x64xf32, #tpu.memory_space<hbm>>
    %dma_start3A_157 = tpu.memref_slice %arg8[%dma_start3A_146] : memref<4x!tpu.dma_semaphore, #tpu.memory_space<semaphore_mem>> -> memref<1x!tpu.dma_semaphore, #tpu.memory_space<semaphore_mem>>
    %dma_start3A_158 = tpu.memref_squeeze %dma_start3A_157 : memref<1x!tpu.dma_semaphore, #tpu.memory_space<semaphore_mem>> -> memref<!tpu.dma_semaphore, #tpu.memory_space<semaphore_mem>>
    tpu.enqueue_indirect_dma source(%dma_start3A_156 : memref<2000000x64xf32, #tpu.memory_space<hbm>>) target(%dma_start3A_150 : memref<128x64xf32, #tpu.memory_space<vmem>>) offsets(%dma_start3A_153 : memref<128xi32, #tpu.memory_space<vmem>>) semaphore(%dma_start3A_158 : memref<!tpu.dma_semaphore, #tpu.memory_space<semaphore_mem>>)
    %dma_start3A_159 = arith.constant 1 : i32
    %dma_start3A_160 = arith.constant 1 : i32
    %dma_start3A_161 = arith.constant 1 : i32
    %dma_start3A_162 = arith.constant 1 : i32
    %dma_start3A_163 = arith.constant 128 : i32
    %dma_start3A_164 = arith.constant 0 : i32
    %dma_start3A_165 = tpu.memref_slice %arg6[%dma_start3A_161, %dma_start3A_163, %dma_start3A_164] : memref<4x256x64xf32, #tpu.memory_space<vmem>> -> memref<1x128x64xf32, #tpu.memory_space<vmem>>
    %dma_start3A_166 = tpu.memref_squeeze %dma_start3A_165 : memref<1x128x64xf32, #tpu.memory_space<vmem>> -> memref<128x64xf32, #tpu.memory_space<vmem>>
    %dma_start3A_167 = arith.constant 0 : i32
    %dma_start3A_168 = tpu.memref_slice %arg5[%dma_start3A_159, %dma_start3A_160, %dma_start3A_167] : memref<4x2x128xi32, #tpu.memory_space<vmem>> -> memref<1x1x128xi32, #tpu.memory_space<vmem>>
    %dma_start3A_169 = tpu.memref_squeeze %dma_start3A_168 : memref<1x1x128xi32, #tpu.memory_space<vmem>> -> memref<128xi32, #tpu.memory_space<vmem>>
    %dma_start3A_170 = arith.constant 0 : i32
    %dma_start3A_171 = arith.constant 0 : i32
    %dma_start3A_172 = tpu.memref_slice %arg2[%dma_start3A_170, %dma_start3A_171] : memref<2000000x64xf32, #tpu.memory_space<hbm>> -> memref<2000000x64xf32, #tpu.memory_space<hbm>>
    %dma_start3A_173 = tpu.memref_slice %arg8[%dma_start3A_162] : memref<4x!tpu.dma_semaphore, #tpu.memory_space<semaphore_mem>> -> memref<1x!tpu.dma_semaphore, #tpu.memory_space<semaphore_mem>>
    %dma_start3A_174 = tpu.memref_squeeze %dma_start3A_173 : memref<1x!tpu.dma_semaphore, #tpu.memory_space<semaphore_mem>> -> memref<!tpu.dma_semaphore, #tpu.memory_space<semaphore_mem>>
    tpu.enqueue_indirect_dma source(%dma_start3A_172 : memref<2000000x64xf32, #tpu.memory_space<hbm>>) target(%dma_start3A_166 : memref<128x64xf32, #tpu.memory_space<vmem>>) offsets(%dma_start3A_169 : memref<128xi32, #tpu.memory_space<vmem>>) semaphore(%dma_start3A_174 : memref<!tpu.dma_semaphore, #tpu.memory_space<semaphore_mem>>)
    %add3A_175 = arith.constant 4 : i32
    %add3A_176 = arith.addi %mul3A_2, %add3A_175 : i32
    %dma_wait3A_177 = arith.constant 2 : i32
    %dma_wait3A_178 = arith.constant 2 : i32
    %dma_wait3A_179 = arith.constant 0 : i32
    %dma_wait3A_180 = arith.constant 0 : i32
    %dma_wait3A_181 = tpu.memref_slice %arg5[%dma_wait3A_177, %dma_wait3A_179, %dma_wait3A_180] : memref<4x2x128xi32, #tpu.memory_space<vmem>> -> memref<1x2x128xi32, #tpu.memory_space<vmem>>
    %dma_wait3A_182 = tpu.memref_squeeze %dma_wait3A_181 : memref<1x2x128xi32, #tpu.memory_space<vmem>> -> memref<2x128xi32, #tpu.memory_space<vmem>>
    %dma_wait3A_183 = arith.constant 0 : i32
    %dma_wait3A_184 = tpu.memref_slice %arg3[%add3A_176, %dma_wait3A_183] : memref<6400x128xi32, #tpu.memory_space<hbm>> -> memref<2x128xi32, #tpu.memory_space<hbm>>
    %dma_wait3A_185 = tpu.memref_slice %arg7[%dma_wait3A_178] : memref<4x!tpu.dma_semaphore, #tpu.memory_space<semaphore_mem>> -> memref<1x!tpu.dma_semaphore, #tpu.memory_space<semaphore_mem>>
    %dma_wait3A_186 = tpu.memref_squeeze %dma_wait3A_185 : memref<1x!tpu.dma_semaphore, #tpu.memory_space<semaphore_mem>> -> memref<!tpu.dma_semaphore, #tpu.memory_space<semaphore_mem>>
    %dma_wait3A_187 = arith.constant 0 : i32
    %dma_wait3A_188 = arith.constant 0 : i32
    %dma_wait3A_189 = tpu.memref_slice %arg5[%dma_wait3A_177, %dma_wait3A_187, %dma_wait3A_188] : memref<4x2x128xi32, #tpu.memory_space<vmem>> -> memref<1x2x128xi32, #tpu.memory_space<vmem>>
    %dma_wait3A_190 = tpu.memref_squeeze %dma_wait3A_189 : memref<1x2x128xi32, #tpu.memory_space<vmem>> -> memref<2x128xi32, #tpu.memory_space<vmem>>
    %dma_wait3A_191 = arith.constant 0 : i32
    %dma_wait3A_192 = tpu.memref_slice %arg3[%add3A_176, %dma_wait3A_191] : memref<6400x128xi32, #tpu.memory_space<hbm>> -> memref<2x128xi32, #tpu.memory_space<hbm>>
    tpu.wait_dma2 semaphore(%dma_wait3A_186 : memref<!tpu.dma_semaphore, #tpu.memory_space<semaphore_mem>>) src(%dma_wait3A_192 : memref<2x128xi32, #tpu.memory_space<hbm>>) dst(%dma_wait3A_190 : memref<2x128xi32, #tpu.memory_space<vmem>>)
    %dma_start3A_193 = arith.constant 2 : i32
    %dma_start3A_194 = arith.constant 0 : i32
    %dma_start3A_195 = arith.constant 2 : i32
    %dma_start3A_196 = arith.constant 2 : i32
    %dma_start3A_197 = arith.constant 0 : i32
    %dma_start3A_198 = arith.constant 0 : i32
    %dma_start3A_199 = tpu.memref_slice %arg6[%dma_start3A_195, %dma_start3A_197, %dma_start3A_198] : memref<4x256x64xf32, #tpu.memory_space<vmem>> -> memref<1x128x64xf32, #tpu.memory_space<vmem>>
    %dma_start3A_200 = tpu.memref_squeeze %dma_start3A_199 : memref<1x128x64xf32, #tpu.memory_space<vmem>> -> memref<128x64xf32, #tpu.memory_space<vmem>>
    %dma_start3A_201 = arith.constant 0 : i32
    %dma_start3A_202 = tpu.memref_slice %arg5[%dma_start3A_193, %dma_start3A_194, %dma_start3A_201] : memref<4x2x128xi32, #tpu.memory_space<vmem>> -> memref<1x1x128xi32, #tpu.memory_space<vmem>>
    %dma_start3A_203 = tpu.memref_squeeze %dma_start3A_202 : memref<1x1x128xi32, #tpu.memory_space<vmem>> -> memref<128xi32, #tpu.memory_space<vmem>>
    %dma_start3A_204 = arith.constant 0 : i32
    %dma_start3A_205 = arith.constant 0 : i32
    %dma_start3A_206 = tpu.memref_slice %arg2[%dma_start3A_204, %dma_start3A_205] : memref<2000000x64xf32, #tpu.memory_space<hbm>> -> memref<2000000x64xf32, #tpu.memory_space<hbm>>
    %dma_start3A_207 = tpu.memref_slice %arg8[%dma_start3A_196] : memref<4x!tpu.dma_semaphore, #tpu.memory_space<semaphore_mem>> -> memref<1x!tpu.dma_semaphore, #tpu.memory_space<semaphore_mem>>
    %dma_start3A_208 = tpu.memref_squeeze %dma_start3A_207 : memref<1x!tpu.dma_semaphore, #tpu.memory_space<semaphore_mem>> -> memref<!tpu.dma_semaphore, #tpu.memory_space<semaphore_mem>>
    tpu.enqueue_indirect_dma source(%dma_start3A_206 : memref<2000000x64xf32, #tpu.memory_space<hbm>>) target(%dma_start3A_200 : memref<128x64xf32, #tpu.memory_space<vmem>>) offsets(%dma_start3A_203 : memref<128xi32, #tpu.memory_space<vmem>>) semaphore(%dma_start3A_208 : memref<!tpu.dma_semaphore, #tpu.memory_space<semaphore_mem>>)
    %dma_start3A_209 = arith.constant 2 : i32
    %dma_start3A_210 = arith.constant 1 : i32
    %dma_start3A_211 = arith.constant 2 : i32
    %dma_start3A_212 = arith.constant 2 : i32
    %dma_start3A_213 = arith.constant 128 : i32
    %dma_start3A_214 = arith.constant 0 : i32
    %dma_start3A_215 = tpu.memref_slice %arg6[%dma_start3A_211, %dma_start3A_213, %dma_start3A_214] : memref<4x256x64xf32, #tpu.memory_space<vmem>> -> memref<1x128x64xf32, #tpu.memory_space<vmem>>
    %dma_start3A_216 = tpu.memref_squeeze %dma_start3A_215 : memref<1x128x64xf32, #tpu.memory_space<vmem>> -> memref<128x64xf32, #tpu.memory_space<vmem>>
    %dma_start3A_217 = arith.constant 0 : i32
    %dma_start3A_218 = tpu.memref_slice %arg5[%dma_start3A_209, %dma_start3A_210, %dma_start3A_217] : memref<4x2x128xi32, #tpu.memory_space<vmem>> -> memref<1x1x128xi32, #tpu.memory_space<vmem>>
    %dma_start3A_219 = tpu.memref_squeeze %dma_start3A_218 : memref<1x1x128xi32, #tpu.memory_space<vmem>> -> memref<128xi32, #tpu.memory_space<vmem>>
    %dma_start3A_220 = arith.constant 0 : i32
    %dma_start3A_221 = arith.constant 0 : i32
    %dma_start3A_222 = tpu.memref_slice %arg2[%dma_start3A_220, %dma_start3A_221] : memref<2000000x64xf32, #tpu.memory_space<hbm>> -> memref<2000000x64xf32, #tpu.memory_space<hbm>>
    %dma_start3A_223 = tpu.memref_slice %arg8[%dma_start3A_212] : memref<4x!tpu.dma_semaphore, #tpu.memory_space<semaphore_mem>> -> memref<1x!tpu.dma_semaphore, #tpu.memory_space<semaphore_mem>>
    %dma_start3A_224 = tpu.memref_squeeze %dma_start3A_223 : memref<1x!tpu.dma_semaphore, #tpu.memory_space<semaphore_mem>> -> memref<!tpu.dma_semaphore, #tpu.memory_space<semaphore_mem>>
    tpu.enqueue_indirect_dma source(%dma_start3A_222 : memref<2000000x64xf32, #tpu.memory_space<hbm>>) target(%dma_start3A_216 : memref<128x64xf32, #tpu.memory_space<vmem>>) offsets(%dma_start3A_219 : memref<128xi32, #tpu.memory_space<vmem>>) semaphore(%dma_start3A_224 : memref<!tpu.dma_semaphore, #tpu.memory_space<semaphore_mem>>)
    %add3A_225 = arith.constant 6 : i32
    %add3A_226 = arith.addi %mul3A_2, %add3A_225 : i32
    %dma_wait3A_227 = arith.constant 3 : i32
    %dma_wait3A_228 = arith.constant 3 : i32
    %dma_wait3A_229 = arith.constant 0 : i32
    %dma_wait3A_230 = arith.constant 0 : i32
    %dma_wait3A_231 = tpu.memref_slice %arg5[%dma_wait3A_227, %dma_wait3A_229, %dma_wait3A_230] : memref<4x2x128xi32, #tpu.memory_space<vmem>> -> memref<1x2x128xi32, #tpu.memory_space<vmem>>
    %dma_wait3A_232 = tpu.memref_squeeze %dma_wait3A_231 : memref<1x2x128xi32, #tpu.memory_space<vmem>> -> memref<2x128xi32, #tpu.memory_space<vmem>>
    %dma_wait3A_233 = arith.constant 0 : i32
    %dma_wait3A_234 = tpu.memref_slice %arg3[%add3A_226, %dma_wait3A_233] : memref<6400x128xi32, #tpu.memory_space<hbm>> -> memref<2x128xi32, #tpu.memory_space<hbm>>
    %dma_wait3A_235 = tpu.memref_slice %arg7[%dma_wait3A_228] : memref<4x!tpu.dma_semaphore, #tpu.memory_space<semaphore_mem>> -> memref<1x!tpu.dma_semaphore, #tpu.memory_space<semaphore_mem>>
    %dma_wait3A_236 = tpu.memref_squeeze %dma_wait3A_235 : memref<1x!tpu.dma_semaphore, #tpu.memory_space<semaphore_mem>> -> memref<!tpu.dma_semaphore, #tpu.memory_space<semaphore_mem>>
    %dma_wait3A_237 = arith.constant 0 : i32
    %dma_wait3A_238 = arith.constant 0 : i32
    %dma_wait3A_239 = tpu.memref_slice %arg5[%dma_wait3A_227, %dma_wait3A_237, %dma_wait3A_238] : memref<4x2x128xi32, #tpu.memory_space<vmem>> -> memref<1x2x128xi32, #tpu.memory_space<vmem>>
    %dma_wait3A_240 = tpu.memref_squeeze %dma_wait3A_239 : memref<1x2x128xi32, #tpu.memory_space<vmem>> -> memref<2x128xi32, #tpu.memory_space<vmem>>
    %dma_wait3A_241 = arith.constant 0 : i32
    %dma_wait3A_242 = tpu.memref_slice %arg3[%add3A_226, %dma_wait3A_241] : memref<6400x128xi32, #tpu.memory_space<hbm>> -> memref<2x128xi32, #tpu.memory_space<hbm>>
    tpu.wait_dma2 semaphore(%dma_wait3A_236 : memref<!tpu.dma_semaphore, #tpu.memory_space<semaphore_mem>>) src(%dma_wait3A_242 : memref<2x128xi32, #tpu.memory_space<hbm>>) dst(%dma_wait3A_240 : memref<2x128xi32, #tpu.memory_space<vmem>>)
    %dma_start3A_243 = arith.constant 3 : i32
    %dma_start3A_244 = arith.constant 0 : i32
    %dma_start3A_245 = arith.constant 3 : i32
    %dma_start3A_246 = arith.constant 3 : i32
    %dma_start3A_247 = arith.constant 0 : i32
    %dma_start3A_248 = arith.constant 0 : i32
    %dma_start3A_249 = tpu.memref_slice %arg6[%dma_start3A_245, %dma_start3A_247, %dma_start3A_248] : memref<4x256x64xf32, #tpu.memory_space<vmem>> -> memref<1x128x64xf32, #tpu.memory_space<vmem>>
    %dma_start3A_250 = tpu.memref_squeeze %dma_start3A_249 : memref<1x128x64xf32, #tpu.memory_space<vmem>> -> memref<128x64xf32, #tpu.memory_space<vmem>>
    %dma_start3A_251 = arith.constant 0 : i32
    %dma_start3A_252 = tpu.memref_slice %arg5[%dma_start3A_243, %dma_start3A_244, %dma_start3A_251] : memref<4x2x128xi32, #tpu.memory_space<vmem>> -> memref<1x1x128xi32, #tpu.memory_space<vmem>>
    %dma_start3A_253 = tpu.memref_squeeze %dma_start3A_252 : memref<1x1x128xi32, #tpu.memory_space<vmem>> -> memref<128xi32, #tpu.memory_space<vmem>>
    %dma_start3A_254 = arith.constant 0 : i32
    %dma_start3A_255 = arith.constant 0 : i32
    %dma_start3A_256 = tpu.memref_slice %arg2[%dma_start3A_254, %dma_start3A_255] : memref<2000000x64xf32, #tpu.memory_space<hbm>> -> memref<2000000x64xf32, #tpu.memory_space<hbm>>
    %dma_start3A_257 = tpu.memref_slice %arg8[%dma_start3A_246] : memref<4x!tpu.dma_semaphore, #tpu.memory_space<semaphore_mem>> -> memref<1x!tpu.dma_semaphore, #tpu.memory_space<semaphore_mem>>
    %dma_start3A_258 = tpu.memref_squeeze %dma_start3A_257 : memref<1x!tpu.dma_semaphore, #tpu.memory_space<semaphore_mem>> -> memref<!tpu.dma_semaphore, #tpu.memory_space<semaphore_mem>>
    tpu.enqueue_indirect_dma source(%dma_start3A_256 : memref<2000000x64xf32, #tpu.memory_space<hbm>>) target(%dma_start3A_250 : memref<128x64xf32, #tpu.memory_space<vmem>>) offsets(%dma_start3A_253 : memref<128xi32, #tpu.memory_space<vmem>>) semaphore(%dma_start3A_258 : memref<!tpu.dma_semaphore, #tpu.memory_space<semaphore_mem>>)
    %dma_start3A_259 = arith.constant 3 : i32
    %dma_start3A_260 = arith.constant 1 : i32
    %dma_start3A_261 = arith.constant 3 : i32
    %dma_start3A_262 = arith.constant 3 : i32
    %dma_start3A_263 = arith.constant 128 : i32
    %dma_start3A_264 = arith.constant 0 : i32
    %dma_start3A_265 = tpu.memref_slice %arg6[%dma_start3A_261, %dma_start3A_263, %dma_start3A_264] : memref<4x256x64xf32, #tpu.memory_space<vmem>> -> memref<1x128x64xf32, #tpu.memory_space<vmem>>
    %dma_start3A_266 = tpu.memref_squeeze %dma_start3A_265 : memref<1x128x64xf32, #tpu.memory_space<vmem>> -> memref<128x64xf32, #tpu.memory_space<vmem>>
    %dma_start3A_267 = arith.constant 0 : i32
    %dma_start3A_268 = tpu.memref_slice %arg5[%dma_start3A_259, %dma_start3A_260, %dma_start3A_267] : memref<4x2x128xi32, #tpu.memory_space<vmem>> -> memref<1x1x128xi32, #tpu.memory_space<vmem>>
    %dma_start3A_269 = tpu.memref_squeeze %dma_start3A_268 : memref<1x1x128xi32, #tpu.memory_space<vmem>> -> memref<128xi32, #tpu.memory_space<vmem>>
    %dma_start3A_270 = arith.constant 0 : i32
    %dma_start3A_271 = arith.constant 0 : i32
    %dma_start3A_272 = tpu.memref_slice %arg2[%dma_start3A_270, %dma_start3A_271] : memref<2000000x64xf32, #tpu.memory_space<hbm>> -> memref<2000000x64xf32, #tpu.memory_space<hbm>>
    %dma_start3A_273 = tpu.memref_slice %arg8[%dma_start3A_262] : memref<4x!tpu.dma_semaphore, #tpu.memory_space<semaphore_mem>> -> memref<1x!tpu.dma_semaphore, #tpu.memory_space<semaphore_mem>>
    %dma_start3A_274 = tpu.memref_squeeze %dma_start3A_273 : memref<1x!tpu.dma_semaphore, #tpu.memory_space<semaphore_mem>> -> memref<!tpu.dma_semaphore, #tpu.memory_space<semaphore_mem>>
    tpu.enqueue_indirect_dma source(%dma_start3A_272 : memref<2000000x64xf32, #tpu.memory_space<hbm>>) target(%dma_start3A_266 : memref<128x64xf32, #tpu.memory_space<vmem>>) offsets(%dma_start3A_269 : memref<128xi32, #tpu.memory_space<vmem>>) semaphore(%dma_start3A_274 : memref<!tpu.dma_semaphore, #tpu.memory_space<semaphore_mem>>)
    %dma_wait3A_275 = arith.constant 0 : i32
    %dma_wait3A_276 = arith.constant 0 : i32
    %dma_wait3A_277 = arith.constant 0 : i32
    %dma_wait3A_278 = arith.constant 0 : i32
    %dma_wait3A_279 = arith.constant 0 : i32
    %dma_wait3A_280 = arith.constant 0 : i32
    %dma_wait3A_281 = tpu.memref_slice %arg6[%dma_wait3A_277, %dma_wait3A_279, %dma_wait3A_280] : memref<4x256x64xf32, #tpu.memory_space<vmem>> -> memref<1x128x64xf32, #tpu.memory_space<vmem>>
    %dma_wait3A_282 = tpu.memref_squeeze %dma_wait3A_281 : memref<1x128x64xf32, #tpu.memory_space<vmem>> -> memref<128x64xf32, #tpu.memory_space<vmem>>
    %dma_wait3A_283 = arith.constant 0 : i32
    %dma_wait3A_284 = tpu.memref_slice %arg5[%dma_wait3A_275, %dma_wait3A_276, %dma_wait3A_283] : memref<4x2x128xi32, #tpu.memory_space<vmem>> -> memref<1x1x128xi32, #tpu.memory_space<vmem>>
    %dma_wait3A_285 = tpu.memref_squeeze %dma_wait3A_284 : memref<1x1x128xi32, #tpu.memory_space<vmem>> -> memref<128xi32, #tpu.memory_space<vmem>>
    %dma_wait3A_286 = arith.constant 0 : i32
    %dma_wait3A_287 = arith.constant 0 : i32
    %dma_wait3A_288 = tpu.memref_slice %arg2[%dma_wait3A_286, %dma_wait3A_287] : memref<2000000x64xf32, #tpu.memory_space<hbm>> -> memref<2000000x64xf32, #tpu.memory_space<hbm>>
    %dma_wait3A_289 = tpu.memref_slice %arg8[%dma_wait3A_278] : memref<4x!tpu.dma_semaphore, #tpu.memory_space<semaphore_mem>> -> memref<1x!tpu.dma_semaphore, #tpu.memory_space<semaphore_mem>>
    %dma_wait3A_290 = tpu.memref_squeeze %dma_wait3A_289 : memref<1x!tpu.dma_semaphore, #tpu.memory_space<semaphore_mem>> -> memref<!tpu.dma_semaphore, #tpu.memory_space<semaphore_mem>>
    tpu.wait_indirect_dma semaphore(%dma_wait3A_290 : memref<!tpu.dma_semaphore, #tpu.memory_space<semaphore_mem>>) src(%dma_wait3A_288 : memref<2000000x64xf32, #tpu.memory_space<hbm>>) dst(%dma_wait3A_282 : memref<128x64xf32, #tpu.memory_space<vmem>>)
    %dma_wait3A_291 = arith.constant 0 : i32
    %dma_wait3A_292 = arith.constant 1 : i32
    %dma_wait3A_293 = arith.constant 0 : i32
    %dma_wait3A_294 = arith.constant 0 : i32
    %dma_wait3A_295 = arith.constant 128 : i32
    %dma_wait3A_296 = arith.constant 0 : i32
    %dma_wait3A_297 = tpu.memref_slice %arg6[%dma_wait3A_293, %dma_wait3A_295, %dma_wait3A_296] : memref<4x256x64xf32, #tpu.memory_space<vmem>> -> memref<1x128x64xf32, #tpu.memory_space<vmem>>
    %dma_wait3A_298 = tpu.memref_squeeze %dma_wait3A_297 : memref<1x128x64xf32, #tpu.memory_space<vmem>> -> memref<128x64xf32, #tpu.memory_space<vmem>>
    %dma_wait3A_299 = arith.constant 0 : i32
    %dma_wait3A_300 = tpu.memref_slice %arg5[%dma_wait3A_291, %dma_wait3A_292, %dma_wait3A_299] : memref<4x2x128xi32, #tpu.memory_space<vmem>> -> memref<1x1x128xi32, #tpu.memory_space<vmem>>
    %dma_wait3A_301 = tpu.memref_squeeze %dma_wait3A_300 : memref<1x1x128xi32, #tpu.memory_space<vmem>> -> memref<128xi32, #tpu.memory_space<vmem>>
    %dma_wait3A_302 = arith.constant 0 : i32
    %dma_wait3A_303 = arith.constant 0 : i32
    %dma_wait3A_304 = tpu.memref_slice %arg2[%dma_wait3A_302, %dma_wait3A_303] : memref<2000000x64xf32, #tpu.memory_space<hbm>> -> memref<2000000x64xf32, #tpu.memory_space<hbm>>
    %dma_wait3A_305 = tpu.memref_slice %arg8[%dma_wait3A_294] : memref<4x!tpu.dma_semaphore, #tpu.memory_space<semaphore_mem>> -> memref<1x!tpu.dma_semaphore, #tpu.memory_space<semaphore_mem>>
    %dma_wait3A_306 = tpu.memref_squeeze %dma_wait3A_305 : memref<1x!tpu.dma_semaphore, #tpu.memory_space<semaphore_mem>> -> memref<!tpu.dma_semaphore, #tpu.memory_space<semaphore_mem>>
    tpu.wait_indirect_dma semaphore(%dma_wait3A_306 : memref<!tpu.dma_semaphore, #tpu.memory_space<semaphore_mem>>) src(%dma_wait3A_304 : memref<2000000x64xf32, #tpu.memory_space<hbm>>) dst(%dma_wait3A_298 : memref<128x64xf32, #tpu.memory_space<vmem>>)
    %add3A_307 = arith.constant 0 : i32
    %add3A_308 = arith.addi %mul3A_4, %add3A_307 : i32
    %dma_start3A_309 = arith.constant 0 : i32
    %dma_start3A_310 = arith.constant 0 : i32
    %dma_start3A_311 = arith.constant 0 : i32
    %dma_start3A_312 = arith.constant 0 : i32
    %dma_start3A_313 = tpu.memref_slice %arg6[%dma_start3A_309, %dma_start3A_311, %dma_start3A_312] : memref<4x256x64xf32, #tpu.memory_space<vmem>> -> memref<1x256x64xf32, #tpu.memory_space<vmem>>
    %dma_start3A_314 = tpu.memref_squeeze %dma_start3A_313 : memref<1x256x64xf32, #tpu.memory_space<vmem>> -> memref<256x64xf32, #tpu.memory_space<vmem>>
    %dma_start3A_315 = arith.constant 0 : i32
    %dma_start3A_316 = tpu.memref_slice %arg4[%add3A_308, %dma_start3A_315] : memref<819200x128xf32, #tpu.memory_space<hbm>> -> memref<256x64xf32, #tpu.memory_space<hbm>>
    %dma_start3A_317 = tpu.memref_slice %arg9[%dma_start3A_310] : memref<4x!tpu.dma_semaphore, #tpu.memory_space<semaphore_mem>> -> memref<1x!tpu.dma_semaphore, #tpu.memory_space<semaphore_mem>>
    %dma_start3A_318 = tpu.memref_squeeze %dma_start3A_317 : memref<1x!tpu.dma_semaphore, #tpu.memory_space<semaphore_mem>> -> memref<!tpu.dma_semaphore, #tpu.memory_space<semaphore_mem>>
    %dma_start3A_319 = arith.constant 0 : i32
    %dma_start3A_320 = tpu.memref_slice %arg4[%add3A_308, %dma_start3A_319] : memref<819200x128xf32, #tpu.memory_space<hbm>> -> memref<256x64xf32, #tpu.memory_space<hbm>>
    %dma_start3A_321 = arith.constant 0 : i32
    %dma_start3A_322 = arith.constant 0 : i32
    %dma_start3A_323 = tpu.memref_slice %arg6[%dma_start3A_309, %dma_start3A_321, %dma_start3A_322] : memref<4x256x64xf32, #tpu.memory_space<vmem>> -> memref<1x256x64xf32, #tpu.memory_space<vmem>>
    %dma_start3A_324 = tpu.memref_squeeze %dma_start3A_323 : memref<1x256x64xf32, #tpu.memory_space<vmem>> -> memref<256x64xf32, #tpu.memory_space<vmem>>
    tpu.enqueue_dma source(%dma_start3A_324 : memref<256x64xf32, #tpu.memory_space<vmem>>) target(%dma_start3A_320 : memref<256x64xf32, #tpu.memory_space<hbm>>) target_semaphore(%dma_start3A_318 : memref<!tpu.dma_semaphore, #tpu.memory_space<semaphore_mem>>)
    %add3A_325 = arith.constant 8 : i32
    %add3A_326 = arith.addi %mul3A_2, %add3A_325 : i32
    %dma_start3A_327 = arith.constant 0 : i32
    %dma_start3A_328 = arith.constant 0 : i32
    %dma_start3A_329 = arith.constant 0 : i32
    %dma_start3A_330 = arith.constant 0 : i32
    %dma_start3A_331 = tpu.memref_slice %arg5[%dma_start3A_327, %dma_start3A_329, %dma_start3A_330] : memref<4x2x128xi32, #tpu.memory_space<vmem>> -> memref<1x2x128xi32, #tpu.memory_space<vmem>>
    %dma_start3A_332 = tpu.memref_squeeze %dma_start3A_331 : memref<1x2x128xi32, #tpu.memory_space<vmem>> -> memref<2x128xi32, #tpu.memory_space<vmem>>
    %dma_start3A_333 = arith.constant 0 : i32
    %dma_start3A_334 = tpu.memref_slice %arg3[%add3A_326, %dma_start3A_333] : memref<6400x128xi32, #tpu.memory_space<hbm>> -> memref<2x128xi32, #tpu.memory_space<hbm>>
    %dma_start3A_335 = tpu.memref_slice %arg7[%dma_start3A_328] : memref<4x!tpu.dma_semaphore, #tpu.memory_space<semaphore_mem>> -> memref<1x!tpu.dma_semaphore, #tpu.memory_space<semaphore_mem>>
    %dma_start3A_336 = tpu.memref_squeeze %dma_start3A_335 : memref<1x!tpu.dma_semaphore, #tpu.memory_space<semaphore_mem>> -> memref<!tpu.dma_semaphore, #tpu.memory_space<semaphore_mem>>
    %dma_start3A_337 = arith.constant 0 : i32
    %dma_start3A_338 = arith.constant 0 : i32
    %dma_start3A_339 = tpu.memref_slice %arg5[%dma_start3A_327, %dma_start3A_337, %dma_start3A_338] : memref<4x2x128xi32, #tpu.memory_space<vmem>> -> memref<1x2x128xi32, #tpu.memory_space<vmem>>
    %dma_start3A_340 = tpu.memref_squeeze %dma_start3A_339 : memref<1x2x128xi32, #tpu.memory_space<vmem>> -> memref<2x128xi32, #tpu.memory_space<vmem>>
    %dma_start3A_341 = arith.constant 0 : i32
    %dma_start3A_342 = tpu.memref_slice %arg3[%add3A_326, %dma_start3A_341] : memref<6400x128xi32, #tpu.memory_space<hbm>> -> memref<2x128xi32, #tpu.memory_space<hbm>>
    tpu.enqueue_dma source(%dma_start3A_342 : memref<2x128xi32, #tpu.memory_space<hbm>>) target(%dma_start3A_340 : memref<2x128xi32, #tpu.memory_space<vmem>>) target_semaphore(%dma_start3A_336 : memref<!tpu.dma_semaphore, #tpu.memory_space<semaphore_mem>>)
    %dma_wait3A_343 = arith.constant 1 : i32
    %dma_wait3A_344 = arith.constant 0 : i32
    %dma_wait3A_345 = arith.constant 1 : i32
    %dma_wait3A_346 = arith.constant 1 : i32
    %dma_wait3A_347 = arith.constant 0 : i32
    %dma_wait3A_348 = arith.constant 0 : i32
    %dma_wait3A_349 = tpu.memref_slice %arg6[%dma_wait3A_345, %dma_wait3A_347, %dma_wait3A_348] : memref<4x256x64xf32, #tpu.memory_space<vmem>> -> memref<1x128x64xf32, #tpu.memory_space<vmem>>
    %dma_wait3A_350 = tpu.memref_squeeze %dma_wait3A_349 : memref<1x128x64xf32, #tpu.memory_space<vmem>> -> memref<128x64xf32, #tpu.memory_space<vmem>>
    %dma_wait3A_351 = arith.constant 0 : i32
    %dma_wait3A_352 = tpu.memref_slice %arg5[%dma_wait3A_343, %dma_wait3A_344, %dma_wait3A_351] : memref<4x2x128xi32, #tpu.memory_space<vmem>> -> memref<1x1x128xi32, #tpu.memory_space<vmem>>
    %dma_wait3A_353 = tpu.memref_squeeze %dma_wait3A_352 : memref<1x1x128xi32, #tpu.memory_space<vmem>> -> memref<128xi32, #tpu.memory_space<vmem>>
    %dma_wait3A_354 = arith.constant 0 : i32
    %dma_wait3A_355 = arith.constant 0 : i32
    %dma_wait3A_356 = tpu.memref_slice %arg2[%dma_wait3A_354, %dma_wait3A_355] : memref<2000000x64xf32, #tpu.memory_space<hbm>> -> memref<2000000x64xf32, #tpu.memory_space<hbm>>
    %dma_wait3A_357 = tpu.memref_slice %arg8[%dma_wait3A_346] : memref<4x!tpu.dma_semaphore, #tpu.memory_space<semaphore_mem>> -> memref<1x!tpu.dma_semaphore, #tpu.memory_space<semaphore_mem>>
    %dma_wait3A_358 = tpu.memref_squeeze %dma_wait3A_357 : memref<1x!tpu.dma_semaphore, #tpu.memory_space<semaphore_mem>> -> memref<!tpu.dma_semaphore, #tpu.memory_space<semaphore_mem>>
    tpu.wait_indirect_dma semaphore(%dma_wait3A_358 : memref<!tpu.dma_semaphore, #tpu.memory_space<semaphore_mem>>) src(%dma_wait3A_356 : memref<2000000x64xf32, #tpu.memory_space<hbm>>) dst(%dma_wait3A_350 : memref<128x64xf32, #tpu.memory_space<vmem>>)
    %dma_wait3A_359 = arith.constant 1 : i32
    %dma_wait3A_360 = arith.constant 1 : i32
    %dma_wait3A_361 = arith.constant 1 : i32
    %dma_wait3A_362 = arith.constant 1 : i32
    %dma_wait3A_363 = arith.constant 128 : i32
    %dma_wait3A_364 = arith.constant 0 : i32
    %dma_wait3A_365 = tpu.memref_slice %arg6[%dma_wait3A_361, %dma_wait3A_363, %dma_wait3A_364] : memref<4x256x64xf32, #tpu.memory_space<vmem>> -> memref<1x128x64xf32, #tpu.memory_space<vmem>>
    %dma_wait3A_366 = tpu.memref_squeeze %dma_wait3A_365 : memref<1x128x64xf32, #tpu.memory_space<vmem>> -> memref<128x64xf32, #tpu.memory_space<vmem>>
    %dma_wait3A_367 = arith.constant 0 : i32
    %dma_wait3A_368 = tpu.memref_slice %arg5[%dma_wait3A_359, %dma_wait3A_360, %dma_wait3A_367] : memref<4x2x128xi32, #tpu.memory_space<vmem>> -> memref<1x1x128xi32, #tpu.memory_space<vmem>>
    %dma_wait3A_369 = tpu.memref_squeeze %dma_wait3A_368 : memref<1x1x128xi32, #tpu.memory_space<vmem>> -> memref<128xi32, #tpu.memory_space<vmem>>
    %dma_wait3A_370 = arith.constant 0 : i32
    %dma_wait3A_371 = arith.constant 0 : i32
    %dma_wait3A_372 = tpu.memref_slice %arg2[%dma_wait3A_370, %dma_wait3A_371] : memref<2000000x64xf32, #tpu.memory_space<hbm>> -> memref<2000000x64xf32, #tpu.memory_space<hbm>>
    %dma_wait3A_373 = tpu.memref_slice %arg8[%dma_wait3A_362] : memref<4x!tpu.dma_semaphore, #tpu.memory_space<semaphore_mem>> -> memref<1x!tpu.dma_semaphore, #tpu.memory_space<semaphore_mem>>
    %dma_wait3A_374 = tpu.memref_squeeze %dma_wait3A_373 : memref<1x!tpu.dma_semaphore, #tpu.memory_space<semaphore_mem>> -> memref<!tpu.dma_semaphore, #tpu.memory_space<semaphore_mem>>
    tpu.wait_indirect_dma semaphore(%dma_wait3A_374 : memref<!tpu.dma_semaphore, #tpu.memory_space<semaphore_mem>>) src(%dma_wait3A_372 : memref<2000000x64xf32, #tpu.memory_space<hbm>>) dst(%dma_wait3A_366 : memref<128x64xf32, #tpu.memory_space<vmem>>)
    %add3A_375 = arith.constant 256 : i32
    %add3A_376 = arith.addi %mul3A_4, %add3A_375 : i32
    %dma_start3A_377 = arith.constant 1 : i32
    %dma_start3A_378 = arith.constant 1 : i32
    %dma_start3A_379 = arith.constant 0 : i32
    %dma_start3A_380 = arith.constant 0 : i32
    %dma_start3A_381 = tpu.memref_slice %arg6[%dma_start3A_377, %dma_start3A_379, %dma_start3A_380] : memref<4x256x64xf32, #tpu.memory_space<vmem>> -> memref<1x256x64xf32, #tpu.memory_space<vmem>>
    %dma_start3A_382 = tpu.memref_squeeze %dma_start3A_381 : memref<1x256x64xf32, #tpu.memory_space<vmem>> -> memref<256x64xf32, #tpu.memory_space<vmem>>
    %dma_start3A_383 = arith.constant 0 : i32
    %dma_start3A_384 = tpu.memref_slice %arg4[%add3A_376, %dma_start3A_383] : memref<819200x128xf32, #tpu.memory_space<hbm>> -> memref<256x64xf32, #tpu.memory_space<hbm>>
    %dma_start3A_385 = tpu.memref_slice %arg9[%dma_start3A_378] : memref<4x!tpu.dma_semaphore, #tpu.memory_space<semaphore_mem>> -> memref<1x!tpu.dma_semaphore, #tpu.memory_space<semaphore_mem>>
    %dma_start3A_386 = tpu.memref_squeeze %dma_start3A_385 : memref<1x!tpu.dma_semaphore, #tpu.memory_space<semaphore_mem>> -> memref<!tpu.dma_semaphore, #tpu.memory_space<semaphore_mem>>
    %dma_start3A_387 = arith.constant 0 : i32
    %dma_start3A_388 = tpu.memref_slice %arg4[%add3A_376, %dma_start3A_387] : memref<819200x128xf32, #tpu.memory_space<hbm>> -> memref<256x64xf32, #tpu.memory_space<hbm>>
    %dma_start3A_389 = arith.constant 0 : i32
    %dma_start3A_390 = arith.constant 0 : i32
    %dma_start3A_391 = tpu.memref_slice %arg6[%dma_start3A_377, %dma_start3A_389, %dma_start3A_390] : memref<4x256x64xf32, #tpu.memory_space<vmem>> -> memref<1x256x64xf32, #tpu.memory_space<vmem>>
    %dma_start3A_392 = tpu.memref_squeeze %dma_start3A_391 : memref<1x256x64xf32, #tpu.memory_space<vmem>> -> memref<256x64xf32, #tpu.memory_space<vmem>>
    tpu.enqueue_dma source(%dma_start3A_392 : memref<256x64xf32, #tpu.memory_space<vmem>>) target(%dma_start3A_388 : memref<256x64xf32, #tpu.memory_space<hbm>>) target_semaphore(%dma_start3A_386 : memref<!tpu.dma_semaphore, #tpu.memory_space<semaphore_mem>>)
    %add3A_393 = arith.constant 10 : i32
    %add3A_394 = arith.addi %mul3A_2, %add3A_393 : i32
    %dma_start3A_395 = arith.constant 1 : i32
    %dma_start3A_396 = arith.constant 1 : i32
    %dma_start3A_397 = arith.constant 0 : i32
    %dma_start3A_398 = arith.constant 0 : i32
    %dma_start3A_399 = tpu.memref_slice %arg5[%dma_start3A_395, %dma_start3A_397, %dma_start3A_398] : memref<4x2x128xi32, #tpu.memory_space<vmem>> -> memref<1x2x128xi32, #tpu.memory_space<vmem>>
    %dma_start3A_400 = tpu.memref_squeeze %dma_start3A_399 : memref<1x2x128xi32, #tpu.memory_space<vmem>> -> memref<2x128xi32, #tpu.memory_space<vmem>>
    %dma_start3A_401 = arith.constant 0 : i32
    %dma_start3A_402 = tpu.memref_slice %arg3[%add3A_394, %dma_start3A_401] : memref<6400x128xi32, #tpu.memory_space<hbm>> -> memref<2x128xi32, #tpu.memory_space<hbm>>
    %dma_start3A_403 = tpu.memref_slice %arg7[%dma_start3A_396] : memref<4x!tpu.dma_semaphore, #tpu.memory_space<semaphore_mem>> -> memref<1x!tpu.dma_semaphore, #tpu.memory_space<semaphore_mem>>
    %dma_start3A_404 = tpu.memref_squeeze %dma_start3A_403 : memref<1x!tpu.dma_semaphore, #tpu.memory_space<semaphore_mem>> -> memref<!tpu.dma_semaphore, #tpu.memory_space<semaphore_mem>>
    %dma_start3A_405 = arith.constant 0 : i32
    %dma_start3A_406 = arith.constant 0 : i32
    %dma_start3A_407 = tpu.memref_slice %arg5[%dma_start3A_395, %dma_start3A_405, %dma_start3A_406] : memref<4x2x128xi32, #tpu.memory_space<vmem>> -> memref<1x2x128xi32, #tpu.memory_space<vmem>>
    %dma_start3A_408 = tpu.memref_squeeze %dma_start3A_407 : memref<1x2x128xi32, #tpu.memory_space<vmem>> -> memref<2x128xi32, #tpu.memory_space<vmem>>
    %dma_start3A_409 = arith.constant 0 : i32
    %dma_start3A_410 = tpu.memref_slice %arg3[%add3A_394, %dma_start3A_409] : memref<6400x128xi32, #tpu.memory_space<hbm>> -> memref<2x128xi32, #tpu.memory_space<hbm>>
    tpu.enqueue_dma source(%dma_start3A_410 : memref<2x128xi32, #tpu.memory_space<hbm>>) target(%dma_start3A_408 : memref<2x128xi32, #tpu.memory_space<vmem>>) target_semaphore(%dma_start3A_404 : memref<!tpu.dma_semaphore, #tpu.memory_space<semaphore_mem>>)
    %scan3A = arith.constant 0 : i32
    %scan3A_411 = arith.constant 0 : i32
    %scan3A_412 = arith.constant 24 : i32
    %scan3A_413 = arith.addi %scan3A_411, %scan3A_412 : i32
    %scan3A_414 = arith.constant 1 : i32
    scf.for %scan3A_696 = %scan3A_411 to %scan3A_413 step %scan3A_414  : i32 {
      %mul3A_697 = arith.constant 4 : i32
      %mul3A_698 = arith.muli %mul3A_697, %scan3A_696 : i32
      %add3A_699 = arith.constant 2 : i32
      %add3A_700 = arith.addi %mul3A_698, %add3A_699 : i32
      %add3A_701 = arith.constant 0 : i32
      %add3A_702 = arith.addi %add3A_700, %add3A_701 : i32
      %add3A_703 = arith.constant 2 : i32
      %add3A_704 = arith.addi %add3A_702, %add3A_703 : i32
      %sub3A = arith.constant 4 : i32
      %sub3A_705 = arith.subi %add3A_704, %sub3A : i32
      %mul3A_706 = arith.constant 256 : i32
      %mul3A_707 = arith.muli %sub3A_705, %mul3A_706 : i32
      %add3A_708 = arith.addi %mul3A_4, %mul3A_707 : i32
      %dma_wait3A_709 = arith.constant 0 : i32
      %dma_wait3A_710 = arith.constant 0 : i32
      %dma_wait3A_711 = arith.constant 0 : i32
      %dma_wait3A_712 = arith.constant 0 : i32
      %dma_wait3A_713 = tpu.memref_slice %arg6[%dma_wait3A_709, %dma_wait3A_711, %dma_wait3A_712] : memref<4x256x64xf32, #tpu.memory_space<vmem>> -> memref<1x256x64xf32, #tpu.memory_space<vmem>>
      %dma_wait3A_714 = tpu.memref_squeeze %dma_wait3A_713 : memref<1x256x64xf32, #tpu.memory_space<vmem>> -> memref<256x64xf32, #tpu.memory_space<vmem>>
      %dma_wait3A_715 = arith.constant 0 : i32
      %dma_wait3A_716 = tpu.memref_slice %arg4[%add3A_708, %dma_wait3A_715] : memref<819200x128xf32, #tpu.memory_space<hbm>> -> memref<256x64xf32, #tpu.memory_space<hbm>>
      %dma_wait3A_717 = tpu.memref_slice %arg9[%dma_wait3A_710] : memref<4x!tpu.dma_semaphore, #tpu.memory_space<semaphore_mem>> -> memref<1x!tpu.dma_semaphore, #tpu.memory_space<semaphore_mem>>
      %dma_wait3A_718 = tpu.memref_squeeze %dma_wait3A_717 : memref<1x!tpu.dma_semaphore, #tpu.memory_space<semaphore_mem>> -> memref<!tpu.dma_semaphore, #tpu.memory_space<semaphore_mem>>
      %dma_wait3A_719 = arith.constant 0 : i32
      %dma_wait3A_720 = tpu.memref_slice %arg4[%add3A_708, %dma_wait3A_719] : memref<819200x128xf32, #tpu.memory_space<hbm>> -> memref<256x64xf32, #tpu.memory_space<hbm>>
      %dma_wait3A_721 = arith.constant 0 : i32
      %dma_wait3A_722 = arith.constant 0 : i32
      %dma_wait3A_723 = tpu.memref_slice %arg6[%dma_wait3A_709, %dma_wait3A_721, %dma_wait3A_722] : memref<4x256x64xf32, #tpu.memory_space<vmem>> -> memref<1x256x64xf32, #tpu.memory_space<vmem>>
      %dma_wait3A_724 = tpu.memref_squeeze %dma_wait3A_723 : memref<1x256x64xf32, #tpu.memory_space<vmem>> -> memref<256x64xf32, #tpu.memory_space<vmem>>
      tpu.wait_dma2 semaphore(%dma_wait3A_718 : memref<!tpu.dma_semaphore, #tpu.memory_space<semaphore_mem>>) src(%dma_wait3A_724 : memref<256x64xf32, #tpu.memory_space<vmem>>) dst(%dma_wait3A_720 : memref<256x64xf32, #tpu.memory_space<hbm>>)
      %mul3A_725 = arith.constant 2 : i32
      %mul3A_726 = arith.muli %add3A_704, %mul3A_725 : i32
      %add3A_727 = arith.addi %mul3A_2, %mul3A_726 : i32
      %dma_wait3A_728 = arith.constant 0 : i32
      %dma_wait3A_729 = arith.constant 0 : i32
      %dma_wait3A_730 = arith.constant 0 : i32
      %dma_wait3A_731 = arith.constant 0 : i32
      %dma_wait3A_732 = tpu.memref_slice %arg5[%dma_wait3A_728, %dma_wait3A_730, %dma_wait3A_731] : memref<4x2x128xi32, #tpu.memory_space<vmem>> -> memref<1x2x128xi32, #tpu.memory_space<vmem>>
      %dma_wait3A_733 = tpu.memref_squeeze %dma_wait3A_732 : memref<1x2x128xi32, #tpu.memory_space<vmem>> -> memref<2x128xi32, #tpu.memory_space<vmem>>
      %dma_wait3A_734 = arith.constant 0 : i32
      %dma_wait3A_735 = tpu.memref_slice %arg3[%add3A_727, %dma_wait3A_734] : memref<6400x128xi32, #tpu.memory_space<hbm>> -> memref<2x128xi32, #tpu.memory_space<hbm>>
      %dma_wait3A_736 = tpu.memref_slice %arg7[%dma_wait3A_729] : memref<4x!tpu.dma_semaphore, #tpu.memory_space<semaphore_mem>> -> memref<1x!tpu.dma_semaphore, #tpu.memory_space<semaphore_mem>>
      %dma_wait3A_737 = tpu.memref_squeeze %dma_wait3A_736 : memref<1x!tpu.dma_semaphore, #tpu.memory_space<semaphore_mem>> -> memref<!tpu.dma_semaphore, #tpu.memory_space<semaphore_mem>>
      %dma_wait3A_738 = arith.constant 0 : i32
      %dma_wait3A_739 = arith.constant 0 : i32
      %dma_wait3A_740 = tpu.memref_slice %arg5[%dma_wait3A_728, %dma_wait3A_738, %dma_wait3A_739] : memref<4x2x128xi32, #tpu.memory_space<vmem>> -> memref<1x2x128xi32, #tpu.memory_space<vmem>>
      %dma_wait3A_741 = tpu.memref_squeeze %dma_wait3A_740 : memref<1x2x128xi32, #tpu.memory_space<vmem>> -> memref<2x128xi32, #tpu.memory_space<vmem>>
      %dma_wait3A_742 = arith.constant 0 : i32
      %dma_wait3A_743 = tpu.memref_slice %arg3[%add3A_727, %dma_wait3A_742] : memref<6400x128xi32, #tpu.memory_space<hbm>> -> memref<2x128xi32, #tpu.memory_space<hbm>>
      tpu.wait_dma2 semaphore(%dma_wait3A_737 : memref<!tpu.dma_semaphore, #tpu.memory_space<semaphore_mem>>) src(%dma_wait3A_743 : memref<2x128xi32, #tpu.memory_space<hbm>>) dst(%dma_wait3A_741 : memref<2x128xi32, #tpu.memory_space<vmem>>)
      %dma_start3A_744 = arith.constant 0 : i32
      %dma_start3A_745 = arith.constant 0 : i32
      %dma_start3A_746 = arith.constant 0 : i32
      %dma_start3A_747 = arith.constant 0 : i32
      %dma_start3A_748 = arith.constant 0 : i32
      %dma_start3A_749 = arith.constant 0 : i32
      %dma_start3A_750 = tpu.memref_slice %arg6[%dma_start3A_746, %dma_start3A_748, %dma_start3A_749] : memref<4x256x64xf32, #tpu.memory_space<vmem>> -> memref<1x128x64xf32, #tpu.memory_space<vmem>>
      %dma_start3A_751 = tpu.memref_squeeze %dma_start3A_750 : memref<1x128x64xf32, #tpu.memory_space<vmem>> -> memref<128x64xf32, #tpu.memory_space<vmem>>
      %dma_start3A_752 = arith.constant 0 : i32
      %dma_start3A_753 = tpu.memref_slice %arg5[%dma_start3A_744, %dma_start3A_745, %dma_start3A_752] : memref<4x2x128xi32, #tpu.memory_space<vmem>> -> memref<1x1x128xi32, #tpu.memory_space<vmem>>
      %dma_start3A_754 = tpu.memref_squeeze %dma_start3A_753 : memref<1x1x128xi32, #tpu.memory_space<vmem>> -> memref<128xi32, #tpu.memory_space<vmem>>
      %dma_start3A_755 = arith.constant 0 : i32
      %dma_start3A_756 = arith.constant 0 : i32
      %dma_start3A_757 = tpu.memref_slice %arg2[%dma_start3A_755, %dma_start3A_756] : memref<2000000x64xf32, #tpu.memory_space<hbm>> -> memref<2000000x64xf32, #tpu.memory_space<hbm>>
      %dma_start3A_758 = tpu.memref_slice %arg8[%dma_start3A_747] : memref<4x!tpu.dma_semaphore, #tpu.memory_space<semaphore_mem>> -> memref<1x!tpu.dma_semaphore, #tpu.memory_space<semaphore_mem>>
      %dma_start3A_759 = tpu.memref_squeeze %dma_start3A_758 : memref<1x!tpu.dma_semaphore, #tpu.memory_space<semaphore_mem>> -> memref<!tpu.dma_semaphore, #tpu.memory_space<semaphore_mem>>
      tpu.enqueue_indirect_dma source(%dma_start3A_757 : memref<2000000x64xf32, #tpu.memory_space<hbm>>) target(%dma_start3A_751 : memref<128x64xf32, #tpu.memory_space<vmem>>) offsets(%dma_start3A_754 : memref<128xi32, #tpu.memory_space<vmem>>) semaphore(%dma_start3A_759 : memref<!tpu.dma_semaphore, #tpu.memory_space<semaphore_mem>>)
      %dma_start3A_760 = arith.constant 0 : i32
      %dma_start3A_761 = arith.constant 1 : i32
      %dma_start3A_762 = arith.constant 0 : i32
      %dma_start3A_763 = arith.constant 0 : i32
      %dma_start3A_764 = arith.constant 128 : i32
      %dma_start3A_765 = arith.constant 0 : i32
      %dma_start3A_766 = tpu.memref_slice %arg6[%dma_start3A_762, %dma_start3A_764, %dma_start3A_765] : memref<4x256x64xf32, #tpu.memory_space<vmem>> -> memref<1x128x64xf32, #tpu.memory_space<vmem>>
      %dma_start3A_767 = tpu.memref_squeeze %dma_start3A_766 : memref<1x128x64xf32, #tpu.memory_space<vmem>> -> memref<128x64xf32, #tpu.memory_space<vmem>>
      %dma_start3A_768 = arith.constant 0 : i32
      %dma_start3A_769 = tpu.memref_slice %arg5[%dma_start3A_760, %dma_start3A_761, %dma_start3A_768] : memref<4x2x128xi32, #tpu.memory_space<vmem>> -> memref<1x1x128xi32, #tpu.memory_space<vmem>>
      %dma_start3A_770 = tpu.memref_squeeze %dma_start3A_769 : memref<1x1x128xi32, #tpu.memory_space<vmem>> -> memref<128xi32, #tpu.memory_space<vmem>>
      %dma_start3A_771 = arith.constant 0 : i32
      %dma_start3A_772 = arith.constant 0 : i32
      %dma_start3A_773 = tpu.memref_slice %arg2[%dma_start3A_771, %dma_start3A_772] : memref<2000000x64xf32, #tpu.memory_space<hbm>> -> memref<2000000x64xf32, #tpu.memory_space<hbm>>
      %dma_start3A_774 = tpu.memref_slice %arg8[%dma_start3A_763] : memref<4x!tpu.dma_semaphore, #tpu.memory_space<semaphore_mem>> -> memref<1x!tpu.dma_semaphore, #tpu.memory_space<semaphore_mem>>
      %dma_start3A_775 = tpu.memref_squeeze %dma_start3A_774 : memref<1x!tpu.dma_semaphore, #tpu.memory_space<semaphore_mem>> -> memref<!tpu.dma_semaphore, #tpu.memory_space<semaphore_mem>>
      tpu.enqueue_indirect_dma source(%dma_start3A_773 : memref<2000000x64xf32, #tpu.memory_space<hbm>>) target(%dma_start3A_767 : memref<128x64xf32, #tpu.memory_space<vmem>>) offsets(%dma_start3A_770 : memref<128xi32, #tpu.memory_space<vmem>>) semaphore(%dma_start3A_775 : memref<!tpu.dma_semaphore, #tpu.memory_space<semaphore_mem>>)
      %dma_wait3A_776 = arith.constant 2 : i32
      %dma_wait3A_777 = arith.constant 0 : i32
      %dma_wait3A_778 = arith.constant 2 : i32
      %dma_wait3A_779 = arith.constant 2 : i32
      %dma_wait3A_780 = arith.constant 0 : i32
      %dma_wait3A_781 = arith.constant 0 : i32
      %dma_wait3A_782 = tpu.memref_slice %arg6[%dma_wait3A_778, %dma_wait3A_780, %dma_wait3A_781] : memref<4x256x64xf32, #tpu.memory_space<vmem>> -> memref<1x128x64xf32, #tpu.memory_space<vmem>>
      %dma_wait3A_783 = tpu.memref_squeeze %dma_wait3A_782 : memref<1x128x64xf32, #tpu.memory_space<vmem>> -> memref<128x64xf32, #tpu.memory_space<vmem>>
      %dma_wait3A_784 = arith.constant 0 : i32
      %dma_wait3A_785 = tpu.memref_slice %arg5[%dma_wait3A_776, %dma_wait3A_777, %dma_wait3A_784] : memref<4x2x128xi32, #tpu.memory_space<vmem>> -> memref<1x1x128xi32, #tpu.memory_space<vmem>>
      %dma_wait3A_786 = tpu.memref_squeeze %dma_wait3A_785 : memref<1x1x128xi32, #tpu.memory_space<vmem>> -> memref<128xi32, #tpu.memory_space<vmem>>
      %dma_wait3A_787 = arith.constant 0 : i32
      %dma_wait3A_788 = arith.constant 0 : i32
      %dma_wait3A_789 = tpu.memref_slice %arg2[%dma_wait3A_787, %dma_wait3A_788] : memref<2000000x64xf32, #tpu.memory_space<hbm>> -> memref<2000000x64xf32, #tpu.memory_space<hbm>>
      %dma_wait3A_790 = tpu.memref_slice %arg8[%dma_wait3A_779] : memref<4x!tpu.dma_semaphore, #tpu.memory_space<semaphore_mem>> -> memref<1x!tpu.dma_semaphore, #tpu.memory_space<semaphore_mem>>
      %dma_wait3A_791 = tpu.memref_squeeze %dma_wait3A_790 : memref<1x!tpu.dma_semaphore, #tpu.memory_space<semaphore_mem>> -> memref<!tpu.dma_semaphore, #tpu.memory_space<semaphore_mem>>
      tpu.wait_indirect_dma semaphore(%dma_wait3A_791 : memref<!tpu.dma_semaphore, #tpu.memory_space<semaphore_mem>>) src(%dma_wait3A_789 : memref<2000000x64xf32, #tpu.memory_space<hbm>>) dst(%dma_wait3A_783 : memref<128x64xf32, #tpu.memory_space<vmem>>)
      %dma_wait3A_792 = arith.constant 2 : i32
      %dma_wait3A_793 = arith.constant 1 : i32
      %dma_wait3A_794 = arith.constant 2 : i32
      %dma_wait3A_795 = arith.constant 2 : i32
      %dma_wait3A_796 = arith.constant 128 : i32
      %dma_wait3A_797 = arith.constant 0 : i32
      %dma_wait3A_798 = tpu.memref_slice %arg6[%dma_wait3A_794, %dma_wait3A_796, %dma_wait3A_797] : memref<4x256x64xf32, #tpu.memory_space<vmem>> -> memref<1x128x64xf32, #tpu.memory_space<vmem>>
      %dma_wait3A_799 = tpu.memref_squeeze %dma_wait3A_798 : memref<1x128x64xf32, #tpu.memory_space<vmem>> -> memref<128x64xf32, #tpu.memory_space<vmem>>
      %dma_wait3A_800 = arith.constant 0 : i32
      %dma_wait3A_801 = tpu.memref_slice %arg5[%dma_wait3A_792, %dma_wait3A_793, %dma_wait3A_800] : memref<4x2x128xi32, #tpu.memory_space<vmem>> -> memref<1x1x128xi32, #tpu.memory_space<vmem>>
      %dma_wait3A_802 = tpu.memref_squeeze %dma_wait3A_801 : memref<1x1x128xi32, #tpu.memory_space<vmem>> -> memref<128xi32, #tpu.memory_space<vmem>>
      %dma_wait3A_803 = arith.constant 0 : i32
      %dma_wait3A_804 = arith.constant 0 : i32
      %dma_wait3A_805 = tpu.memref_slice %arg2[%dma_wait3A_803, %dma_wait3A_804] : memref<2000000x64xf32, #tpu.memory_space<hbm>> -> memref<2000000x64xf32, #tpu.memory_space<hbm>>
      %dma_wait3A_806 = tpu.memref_slice %arg8[%dma_wait3A_795] : memref<4x!tpu.dma_semaphore, #tpu.memory_space<semaphore_mem>> -> memref<1x!tpu.dma_semaphore, #tpu.memory_space<semaphore_mem>>
      %dma_wait3A_807 = tpu.memref_squeeze %dma_wait3A_806 : memref<1x!tpu.dma_semaphore, #tpu.memory_space<semaphore_mem>> -> memref<!tpu.dma_semaphore, #tpu.memory_space<semaphore_mem>>
      tpu.wait_indirect_dma semaphore(%dma_wait3A_807 : memref<!tpu.dma_semaphore, #tpu.memory_space<semaphore_mem>>) src(%dma_wait3A_805 : memref<2000000x64xf32, #tpu.memory_space<hbm>>) dst(%dma_wait3A_799 : memref<128x64xf32, #tpu.memory_space<vmem>>)
      %mul3A_808 = arith.constant 256 : i32
      %mul3A_809 = arith.muli %add3A_702, %mul3A_808 : i32
      %add3A_810 = arith.addi %mul3A_4, %mul3A_809 : i32
      %dma_start3A_811 = arith.constant 2 : i32
      %dma_start3A_812 = arith.constant 2 : i32
      %dma_start3A_813 = arith.constant 0 : i32
      %dma_start3A_814 = arith.constant 0 : i32
      %dma_start3A_815 = tpu.memref_slice %arg6[%dma_start3A_811, %dma_start3A_813, %dma_start3A_814] : memref<4x256x64xf32, #tpu.memory_space<vmem>> -> memref<1x256x64xf32, #tpu.memory_space<vmem>>
      %dma_start3A_816 = tpu.memref_squeeze %dma_start3A_815 : memref<1x256x64xf32, #tpu.memory_space<vmem>> -> memref<256x64xf32, #tpu.memory_space<vmem>>
      %dma_start3A_817 = arith.constant 0 : i32
      %dma_start3A_818 = tpu.memref_slice %arg4[%add3A_810, %dma_start3A_817] : memref<819200x128xf32, #tpu.memory_space<hbm>> -> memref<256x64xf32, #tpu.memory_space<hbm>>
      %dma_start3A_819 = tpu.memref_slice %arg9[%dma_start3A_812] : memref<4x!tpu.dma_semaphore, #tpu.memory_space<semaphore_mem>> -> memref<1x!tpu.dma_semaphore, #tpu.memory_space<semaphore_mem>>
      %dma_start3A_820 = tpu.memref_squeeze %dma_start3A_819 : memref<1x!tpu.dma_semaphore, #tpu.memory_space<semaphore_mem>> -> memref<!tpu.dma_semaphore, #tpu.memory_space<semaphore_mem>>
      %dma_start3A_821 = arith.constant 0 : i32
      %dma_start3A_822 = tpu.memref_slice %arg4[%add3A_810, %dma_start3A_821] : memref<819200x128xf32, #tpu.memory_space<hbm>> -> memref<256x64xf32, #tpu.memory_space<hbm>>
      %dma_start3A_823 = arith.constant 0 : i32
      %dma_start3A_824 = arith.constant 0 : i32
      %dma_start3A_825 = tpu.memref_slice %arg6[%dma_start3A_811, %dma_start3A_823, %dma_start3A_824] : memref<4x256x64xf32, #tpu.memory_space<vmem>> -> memref<1x256x64xf32, #tpu.memory_space<vmem>>
      %dma_start3A_826 = tpu.memref_squeeze %dma_start3A_825 : memref<1x256x64xf32, #tpu.memory_space<vmem>> -> memref<256x64xf32, #tpu.memory_space<vmem>>
      tpu.enqueue_dma source(%dma_start3A_826 : memref<256x64xf32, #tpu.memory_space<vmem>>) target(%dma_start3A_822 : memref<256x64xf32, #tpu.memory_space<hbm>>) target_semaphore(%dma_start3A_820 : memref<!tpu.dma_semaphore, #tpu.memory_space<semaphore_mem>>)
      %add3A_827 = arith.constant 4 : i32
      %add3A_828 = arith.addi %add3A_702, %add3A_827 : i32
      %jit3A = arith.constant 100 : i32
      %eq3A = arith.constant 0 : i32
      %eq3A_829 = arith.cmpi eq, %jit3A, %eq3A : i32
      %jit3A_830 = arith.constant 1 : i32
      %select_n3A = arith.select %eq3A_829, %jit3A_830, %jit3A : i32
      %rem3A = arith.remsi %add3A_828, %select_n3A : i32
      %ne3A = arith.constant 0 : i32
      %ne3A_831 = arith.cmpi ne, %rem3A, %ne3A : i32
      %lt3A = arith.constant 0 : i32
      %lt3A_832 = arith.cmpi slt, %rem3A, %lt3A : i32
      %lt3A_833 = arith.constant 0 : i32
      %lt3A_834 = arith.cmpi slt, %select_n3A, %lt3A_833 : i32
      %ne3A_835 = arith.xori %lt3A_832, %lt3A_834 : i1
      %and3A = arith.andi %ne3A_835, %ne3A_831 : i1
      %add3A_836 = arith.addi %rem3A, %select_n3A : i32
      %select_n3A_837 = arith.select %and3A, %add3A_836, %rem3A : i32
      %mul3A_838 = arith.constant 2 : i32
      %mul3A_839 = arith.muli %select_n3A_837, %mul3A_838 : i32
      %add3A_840 = arith.addi %mul3A_2, %mul3A_839 : i32
      %dma_start3A_841 = arith.constant 2 : i32
      %dma_start3A_842 = arith.constant 2 : i32
      %dma_start3A_843 = arith.constant 0 : i32
      %dma_start3A_844 = arith.constant 0 : i32
      %dma_start3A_845 = tpu.memref_slice %arg5[%dma_start3A_841, %dma_start3A_843, %dma_start3A_844] : memref<4x2x128xi32, #tpu.memory_space<vmem>> -> memref<1x2x128xi32, #tpu.memory_space<vmem>>
      %dma_start3A_846 = tpu.memref_squeeze %dma_start3A_845 : memref<1x2x128xi32, #tpu.memory_space<vmem>> -> memref<2x128xi32, #tpu.memory_space<vmem>>
      %dma_start3A_847 = arith.constant 0 : i32
      %dma_start3A_848 = tpu.memref_slice %arg3[%add3A_840, %dma_start3A_847] : memref<6400x128xi32, #tpu.memory_space<hbm>> -> memref<2x128xi32, #tpu.memory_space<hbm>>
      %dma_start3A_849 = tpu.memref_slice %arg7[%dma_start3A_842] : memref<4x!tpu.dma_semaphore, #tpu.memory_space<semaphore_mem>> -> memref<1x!tpu.dma_semaphore, #tpu.memory_space<semaphore_mem>>
      %dma_start3A_850 = tpu.memref_squeeze %dma_start3A_849 : memref<1x!tpu.dma_semaphore, #tpu.memory_space<semaphore_mem>> -> memref<!tpu.dma_semaphore, #tpu.memory_space<semaphore_mem>>
      %dma_start3A_851 = arith.constant 0 : i32
      %dma_start3A_852 = arith.constant 0 : i32
      %dma_start3A_853 = tpu.memref_slice %arg5[%dma_start3A_841, %dma_start3A_851, %dma_start3A_852] : memref<4x2x128xi32, #tpu.memory_space<vmem>> -> memref<1x2x128xi32, #tpu.memory_space<vmem>>
      %dma_start3A_854 = tpu.memref_squeeze %dma_start3A_853 : memref<1x2x128xi32, #tpu.memory_space<vmem>> -> memref<2x128xi32, #tpu.memory_space<vmem>>
      %dma_start3A_855 = arith.constant 0 : i32
      %dma_start3A_856 = tpu.memref_slice %arg3[%add3A_840, %dma_start3A_855] : memref<6400x128xi32, #tpu.memory_space<hbm>> -> memref<2x128xi32, #tpu.memory_space<hbm>>
      tpu.enqueue_dma source(%dma_start3A_856 : memref<2x128xi32, #tpu.memory_space<hbm>>) target(%dma_start3A_854 : memref<2x128xi32, #tpu.memory_space<vmem>>) target_semaphore(%dma_start3A_850 : memref<!tpu.dma_semaphore, #tpu.memory_space<semaphore_mem>>)
      %mul3A_857 = arith.constant 4 : i32
      %mul3A_858 = arith.muli %mul3A_857, %scan3A_696 : i32
      %add3A_859 = arith.constant 2 : i32
      %add3A_860 = arith.addi %mul3A_858, %add3A_859 : i32
      %add3A_861 = arith.constant 1 : i32
      %add3A_862 = arith.addi %add3A_860, %add3A_861 : i32
      %add3A_863 = arith.constant 2 : i32
      %add3A_864 = arith.addi %add3A_862, %add3A_863 : i32
      %sub3A_865 = arith.constant 4 : i32
      %sub3A_866 = arith.subi %add3A_864, %sub3A_865 : i32
      %mul3A_867 = arith.constant 256 : i32
      %mul3A_868 = arith.muli %sub3A_866, %mul3A_867 : i32
      %add3A_869 = arith.addi %mul3A_4, %mul3A_868 : i32
      %dma_wait3A_870 = arith.constant 1 : i32
      %dma_wait3A_871 = arith.constant 1 : i32
      %dma_wait3A_872 = arith.constant 0 : i32
      %dma_wait3A_873 = arith.constant 0 : i32
      %dma_wait3A_874 = tpu.memref_slice %arg6[%dma_wait3A_870, %dma_wait3A_872, %dma_wait3A_873] : memref<4x256x64xf32, #tpu.memory_space<vmem>> -> memref<1x256x64xf32, #tpu.memory_space<vmem>>
      %dma_wait3A_875 = tpu.memref_squeeze %dma_wait3A_874 : memref<1x256x64xf32, #tpu.memory_space<vmem>> -> memref<256x64xf32, #tpu.memory_space<vmem>>
      %dma_wait3A_876 = arith.constant 0 : i32
      %dma_wait3A_877 = tpu.memref_slice %arg4[%add3A_869, %dma_wait3A_876] : memref<819200x128xf32, #tpu.memory_space<hbm>> -> memref<256x64xf32, #tpu.memory_space<hbm>>
      %dma_wait3A_878 = tpu.memref_slice %arg9[%dma_wait3A_871] : memref<4x!tpu.dma_semaphore, #tpu.memory_space<semaphore_mem>> -> memref<1x!tpu.dma_semaphore, #tpu.memory_space<semaphore_mem>>
      %dma_wait3A_879 = tpu.memref_squeeze %dma_wait3A_878 : memref<1x!tpu.dma_semaphore, #tpu.memory_space<semaphore_mem>> -> memref<!tpu.dma_semaphore, #tpu.memory_space<semaphore_mem>>
      %dma_wait3A_880 = arith.constant 0 : i32
      %dma_wait3A_881 = tpu.memref_slice %arg4[%add3A_869, %dma_wait3A_880] : memref<819200x128xf32, #tpu.memory_space<hbm>> -> memref<256x64xf32, #tpu.memory_space<hbm>>
      %dma_wait3A_882 = arith.constant 0 : i32
      %dma_wait3A_883 = arith.constant 0 : i32
      %dma_wait3A_884 = tpu.memref_slice %arg6[%dma_wait3A_870, %dma_wait3A_882, %dma_wait3A_883] : memref<4x256x64xf32, #tpu.memory_space<vmem>> -> memref<1x256x64xf32, #tpu.memory_space<vmem>>
      %dma_wait3A_885 = tpu.memref_squeeze %dma_wait3A_884 : memref<1x256x64xf32, #tpu.memory_space<vmem>> -> memref<256x64xf32, #tpu.memory_space<vmem>>
      tpu.wait_dma2 semaphore(%dma_wait3A_879 : memref<!tpu.dma_semaphore, #tpu.memory_space<semaphore_mem>>) src(%dma_wait3A_885 : memref<256x64xf32, #tpu.memory_space<vmem>>) dst(%dma_wait3A_881 : memref<256x64xf32, #tpu.memory_space<hbm>>)
      %mul3A_886 = arith.constant 2 : i32
      %mul3A_887 = arith.muli %add3A_864, %mul3A_886 : i32
      %add3A_888 = arith.addi %mul3A_2, %mul3A_887 : i32
      %dma_wait3A_889 = arith.constant 1 : i32
      %dma_wait3A_890 = arith.constant 1 : i32
      %dma_wait3A_891 = arith.constant 0 : i32
      %dma_wait3A_892 = arith.constant 0 : i32
      %dma_wait3A_893 = tpu.memref_slice %arg5[%dma_wait3A_889, %dma_wait3A_891, %dma_wait3A_892] : memref<4x2x128xi32, #tpu.memory_space<vmem>> -> memref<1x2x128xi32, #tpu.memory_space<vmem>>
      %dma_wait3A_894 = tpu.memref_squeeze %dma_wait3A_893 : memref<1x2x128xi32, #tpu.memory_space<vmem>> -> memref<2x128xi32, #tpu.memory_space<vmem>>
      %dma_wait3A_895 = arith.constant 0 : i32
      %dma_wait3A_896 = tpu.memref_slice %arg3[%add3A_888, %dma_wait3A_895] : memref<6400x128xi32, #tpu.memory_space<hbm>> -> memref<2x128xi32, #tpu.memory_space<hbm>>
      %dma_wait3A_897 = tpu.memref_slice %arg7[%dma_wait3A_890] : memref<4x!tpu.dma_semaphore, #tpu.memory_space<semaphore_mem>> -> memref<1x!tpu.dma_semaphore, #tpu.memory_space<semaphore_mem>>
      %dma_wait3A_898 = tpu.memref_squeeze %dma_wait3A_897 : memref<1x!tpu.dma_semaphore, #tpu.memory_space<semaphore_mem>> -> memref<!tpu.dma_semaphore, #tpu.memory_space<semaphore_mem>>
      %dma_wait3A_899 = arith.constant 0 : i32
      %dma_wait3A_900 = arith.constant 0 : i32
      %dma_wait3A_901 = tpu.memref_slice %arg5[%dma_wait3A_889, %dma_wait3A_899, %dma_wait3A_900] : memref<4x2x128xi32, #tpu.memory_space<vmem>> -> memref<1x2x128xi32, #tpu.memory_space<vmem>>
      %dma_wait3A_902 = tpu.memref_squeeze %dma_wait3A_901 : memref<1x2x128xi32, #tpu.memory_space<vmem>> -> memref<2x128xi32, #tpu.memory_space<vmem>>
      %dma_wait3A_903 = arith.constant 0 : i32
      %dma_wait3A_904 = tpu.memref_slice %arg3[%add3A_888, %dma_wait3A_903] : memref<6400x128xi32, #tpu.memory_space<hbm>> -> memref<2x128xi32, #tpu.memory_space<hbm>>
      tpu.wait_dma2 semaphore(%dma_wait3A_898 : memref<!tpu.dma_semaphore, #tpu.memory_space<semaphore_mem>>) src(%dma_wait3A_904 : memref<2x128xi32, #tpu.memory_space<hbm>>) dst(%dma_wait3A_902 : memref<2x128xi32, #tpu.memory_space<vmem>>)
      %dma_start3A_905 = arith.constant 1 : i32
      %dma_start3A_906 = arith.constant 0 : i32
      %dma_start3A_907 = arith.constant 1 : i32
      %dma_start3A_908 = arith.constant 1 : i32
      %dma_start3A_909 = arith.constant 0 : i32
      %dma_start3A_910 = arith.constant 0 : i32
      %dma_start3A_911 = tpu.memref_slice %arg6[%dma_start3A_907, %dma_start3A_909, %dma_start3A_910] : memref<4x256x64xf32, #tpu.memory_space<vmem>> -> memref<1x128x64xf32, #tpu.memory_space<vmem>>
      %dma_start3A_912 = tpu.memref_squeeze %dma_start3A_911 : memref<1x128x64xf32, #tpu.memory_space<vmem>> -> memref<128x64xf32, #tpu.memory_space<vmem>>
      %dma_start3A_913 = arith.constant 0 : i32
      %dma_start3A_914 = tpu.memref_slice %arg5[%dma_start3A_905, %dma_start3A_906, %dma_start3A_913] : memref<4x2x128xi32, #tpu.memory_space<vmem>> -> memref<1x1x128xi32, #tpu.memory_space<vmem>>
      %dma_start3A_915 = tpu.memref_squeeze %dma_start3A_914 : memref<1x1x128xi32, #tpu.memory_space<vmem>> -> memref<128xi32, #tpu.memory_space<vmem>>
      %dma_start3A_916 = arith.constant 0 : i32
      %dma_start3A_917 = arith.constant 0 : i32
      %dma_start3A_918 = tpu.memref_slice %arg2[%dma_start3A_916, %dma_start3A_917] : memref<2000000x64xf32, #tpu.memory_space<hbm>> -> memref<2000000x64xf32, #tpu.memory_space<hbm>>
      %dma_start3A_919 = tpu.memref_slice %arg8[%dma_start3A_908] : memref<4x!tpu.dma_semaphore, #tpu.memory_space<semaphore_mem>> -> memref<1x!tpu.dma_semaphore, #tpu.memory_space<semaphore_mem>>
      %dma_start3A_920 = tpu.memref_squeeze %dma_start3A_919 : memref<1x!tpu.dma_semaphore, #tpu.memory_space<semaphore_mem>> -> memref<!tpu.dma_semaphore, #tpu.memory_space<semaphore_mem>>
      tpu.enqueue_indirect_dma source(%dma_start3A_918 : memref<2000000x64xf32, #tpu.memory_space<hbm>>) target(%dma_start3A_912 : memref<128x64xf32, #tpu.memory_space<vmem>>) offsets(%dma_start3A_915 : memref<128xi32, #tpu.memory_space<vmem>>) semaphore(%dma_start3A_920 : memref<!tpu.dma_semaphore, #tpu.memory_space<semaphore_mem>>)
      %dma_start3A_921 = arith.constant 1 : i32
      %dma_start3A_922 = arith.constant 1 : i32
      %dma_start3A_923 = arith.constant 1 : i32
      %dma_start3A_924 = arith.constant 1 : i32
      %dma_start3A_925 = arith.constant 128 : i32
      %dma_start3A_926 = arith.constant 0 : i32
      %dma_start3A_927 = tpu.memref_slice %arg6[%dma_start3A_923, %dma_start3A_925, %dma_start3A_926] : memref<4x256x64xf32, #tpu.memory_space<vmem>> -> memref<1x128x64xf32, #tpu.memory_space<vmem>>
      %dma_start3A_928 = tpu.memref_squeeze %dma_start3A_927 : memref<1x128x64xf32, #tpu.memory_space<vmem>> -> memref<128x64xf32, #tpu.memory_space<vmem>>
      %dma_start3A_929 = arith.constant 0 : i32
      %dma_start3A_930 = tpu.memref_slice %arg5[%dma_start3A_921, %dma_start3A_922, %dma_start3A_929] : memref<4x2x128xi32, #tpu.memory_space<vmem>> -> memref<1x1x128xi32, #tpu.memory_space<vmem>>
      %dma_start3A_931 = tpu.memref_squeeze %dma_start3A_930 : memref<1x1x128xi32, #tpu.memory_space<vmem>> -> memref<128xi32, #tpu.memory_space<vmem>>
      %dma_start3A_932 = arith.constant 0 : i32
      %dma_start3A_933 = arith.constant 0 : i32
      %dma_start3A_934 = tpu.memref_slice %arg2[%dma_start3A_932, %dma_start3A_933] : memref<2000000x64xf32, #tpu.memory_space<hbm>> -> memref<2000000x64xf32, #tpu.memory_space<hbm>>
      %dma_start3A_935 = tpu.memref_slice %arg8[%dma_start3A_924] : memref<4x!tpu.dma_semaphore, #tpu.memory_space<semaphore_mem>> -> memref<1x!tpu.dma_semaphore, #tpu.memory_space<semaphore_mem>>
      %dma_start3A_936 = tpu.memref_squeeze %dma_start3A_935 : memref<1x!tpu.dma_semaphore, #tpu.memory_space<semaphore_mem>> -> memref<!tpu.dma_semaphore, #tpu.memory_space<semaphore_mem>>
      tpu.enqueue_indirect_dma source(%dma_start3A_934 : memref<2000000x64xf32, #tpu.memory_space<hbm>>) target(%dma_start3A_928 : memref<128x64xf32, #tpu.memory_space<vmem>>) offsets(%dma_start3A_931 : memref<128xi32, #tpu.memory_space<vmem>>) semaphore(%dma_start3A_936 : memref<!tpu.dma_semaphore, #tpu.memory_space<semaphore_mem>>)
      %dma_wait3A_937 = arith.constant 3 : i32
      %dma_wait3A_938 = arith.constant 0 : i32
      %dma_wait3A_939 = arith.constant 3 : i32
      %dma_wait3A_940 = arith.constant 3 : i32
      %dma_wait3A_941 = arith.constant 0 : i32
      %dma_wait3A_942 = arith.constant 0 : i32
      %dma_wait3A_943 = tpu.memref_slice %arg6[%dma_wait3A_939, %dma_wait3A_941, %dma_wait3A_942] : memref<4x256x64xf32, #tpu.memory_space<vmem>> -> memref<1x128x64xf32, #tpu.memory_space<vmem>>
      %dma_wait3A_944 = tpu.memref_squeeze %dma_wait3A_943 : memref<1x128x64xf32, #tpu.memory_space<vmem>> -> memref<128x64xf32, #tpu.memory_space<vmem>>
      %dma_wait3A_945 = arith.constant 0 : i32
      %dma_wait3A_946 = tpu.memref_slice %arg5[%dma_wait3A_937, %dma_wait3A_938, %dma_wait3A_945] : memref<4x2x128xi32, #tpu.memory_space<vmem>> -> memref<1x1x128xi32, #tpu.memory_space<vmem>>
      %dma_wait3A_947 = tpu.memref_squeeze %dma_wait3A_946 : memref<1x1x128xi32, #tpu.memory_space<vmem>> -> memref<128xi32, #tpu.memory_space<vmem>>
      %dma_wait3A_948 = arith.constant 0 : i32
      %dma_wait3A_949 = arith.constant 0 : i32
      %dma_wait3A_950 = tpu.memref_slice %arg2[%dma_wait3A_948, %dma_wait3A_949] : memref<2000000x64xf32, #tpu.memory_space<hbm>> -> memref<2000000x64xf32, #tpu.memory_space<hbm>>
      %dma_wait3A_951 = tpu.memref_slice %arg8[%dma_wait3A_940] : memref<4x!tpu.dma_semaphore, #tpu.memory_space<semaphore_mem>> -> memref<1x!tpu.dma_semaphore, #tpu.memory_space<semaphore_mem>>
      %dma_wait3A_952 = tpu.memref_squeeze %dma_wait3A_951 : memref<1x!tpu.dma_semaphore, #tpu.memory_space<semaphore_mem>> -> memref<!tpu.dma_semaphore, #tpu.memory_space<semaphore_mem>>
      tpu.wait_indirect_dma semaphore(%dma_wait3A_952 : memref<!tpu.dma_semaphore, #tpu.memory_space<semaphore_mem>>) src(%dma_wait3A_950 : memref<2000000x64xf32, #tpu.memory_space<hbm>>) dst(%dma_wait3A_944 : memref<128x64xf32, #tpu.memory_space<vmem>>)
      %dma_wait3A_953 = arith.constant 3 : i32
      %dma_wait3A_954 = arith.constant 1 : i32
      %dma_wait3A_955 = arith.constant 3 : i32
      %dma_wait3A_956 = arith.constant 3 : i32
      %dma_wait3A_957 = arith.constant 128 : i32
      %dma_wait3A_958 = arith.constant 0 : i32
      %dma_wait3A_959 = tpu.memref_slice %arg6[%dma_wait3A_955, %dma_wait3A_957, %dma_wait3A_958] : memref<4x256x64xf32, #tpu.memory_space<vmem>> -> memref<1x128x64xf32, #tpu.memory_space<vmem>>
      %dma_wait3A_960 = tpu.memref_squeeze %dma_wait3A_959 : memref<1x128x64xf32, #tpu.memory_space<vmem>> -> memref<128x64xf32, #tpu.memory_space<vmem>>
      %dma_wait3A_961 = arith.constant 0 : i32
      %dma_wait3A_962 = tpu.memref_slice %arg5[%dma_wait3A_953, %dma_wait3A_954, %dma_wait3A_961] : memref<4x2x128xi32, #tpu.memory_space<vmem>> -> memref<1x1x128xi32, #tpu.memory_space<vmem>>
      %dma_wait3A_963 = tpu.memref_squeeze %dma_wait3A_962 : memref<1x1x128xi32, #tpu.memory_space<vmem>> -> memref<128xi32, #tpu.memory_space<vmem>>
      %dma_wait3A_964 = arith.constant 0 : i32
      %dma_wait3A_965 = arith.constant 0 : i32
      %dma_wait3A_966 = tpu.memref_slice %arg2[%dma_wait3A_964, %dma_wait3A_965] : memref<2000000x64xf32, #tpu.memory_space<hbm>> -> memref<2000000x64xf32, #tpu.memory_space<hbm>>
      %dma_wait3A_967 = tpu.memref_slice %arg8[%dma_wait3A_956] : memref<4x!tpu.dma_semaphore, #tpu.memory_space<semaphore_mem>> -> memref<1x!tpu.dma_semaphore, #tpu.memory_space<semaphore_mem>>
      %dma_wait3A_968 = tpu.memref_squeeze %dma_wait3A_967 : memref<1x!tpu.dma_semaphore, #tpu.memory_space<semaphore_mem>> -> memref<!tpu.dma_semaphore, #tpu.memory_space<semaphore_mem>>
      tpu.wait_indirect_dma semaphore(%dma_wait3A_968 : memref<!tpu.dma_semaphore, #tpu.memory_space<semaphore_mem>>) src(%dma_wait3A_966 : memref<2000000x64xf32, #tpu.memory_space<hbm>>) dst(%dma_wait3A_960 : memref<128x64xf32, #tpu.memory_space<vmem>>)
      %mul3A_969 = arith.constant 256 : i32
      %mul3A_970 = arith.muli %add3A_862, %mul3A_969 : i32
      %add3A_971 = arith.addi %mul3A_4, %mul3A_970 : i32
      %dma_start3A_972 = arith.constant 3 : i32
      %dma_start3A_973 = arith.constant 3 : i32
      %dma_start3A_974 = arith.constant 0 : i32
      %dma_start3A_975 = arith.constant 0 : i32
      %dma_start3A_976 = tpu.memref_slice %arg6[%dma_start3A_972, %dma_start3A_974, %dma_start3A_975] : memref<4x256x64xf32, #tpu.memory_space<vmem>> -> memref<1x256x64xf32, #tpu.memory_space<vmem>>
      %dma_start3A_977 = tpu.memref_squeeze %dma_start3A_976 : memref<1x256x64xf32, #tpu.memory_space<vmem>> -> memref<256x64xf32, #tpu.memory_space<vmem>>
      %dma_start3A_978 = arith.constant 0 : i32
      %dma_start3A_979 = tpu.memref_slice %arg4[%add3A_971, %dma_start3A_978] : memref<819200x128xf32, #tpu.memory_space<hbm>> -> memref<256x64xf32, #tpu.memory_space<hbm>>
      %dma_start3A_980 = tpu.memref_slice %arg9[%dma_start3A_973] : memref<4x!tpu.dma_semaphore, #tpu.memory_space<semaphore_mem>> -> memref<1x!tpu.dma_semaphore, #tpu.memory_space<semaphore_mem>>
      %dma_start3A_981 = tpu.memref_squeeze %dma_start3A_980 : memref<1x!tpu.dma_semaphore, #tpu.memory_space<semaphore_mem>> -> memref<!tpu.dma_semaphore, #tpu.memory_space<semaphore_mem>>
      %dma_start3A_982 = arith.constant 0 : i32
      %dma_start3A_983 = tpu.memref_slice %arg4[%add3A_971, %dma_start3A_982] : memref<819200x128xf32, #tpu.memory_space<hbm>> -> memref<256x64xf32, #tpu.memory_space<hbm>>
      %dma_start3A_984 = arith.constant 0 : i32
      %dma_start3A_985 = arith.constant 0 : i32
      %dma_start3A_986 = tpu.memref_slice %arg6[%dma_start3A_972, %dma_start3A_984, %dma_start3A_985] : memref<4x256x64xf32, #tpu.memory_space<vmem>> -> memref<1x256x64xf32, #tpu.memory_space<vmem>>
      %dma_start3A_987 = tpu.memref_squeeze %dma_start3A_986 : memref<1x256x64xf32, #tpu.memory_space<vmem>> -> memref<256x64xf32, #tpu.memory_space<vmem>>
      tpu.enqueue_dma source(%dma_start3A_987 : memref<256x64xf32, #tpu.memory_space<vmem>>) target(%dma_start3A_983 : memref<256x64xf32, #tpu.memory_space<hbm>>) target_semaphore(%dma_start3A_981 : memref<!tpu.dma_semaphore, #tpu.memory_space<semaphore_mem>>)
      %add3A_988 = arith.constant 4 : i32
      %add3A_989 = arith.addi %add3A_862, %add3A_988 : i32
      %jit3A_990 = arith.constant 100 : i32
      %eq3A_991 = arith.constant 0 : i32
      %eq3A_992 = arith.cmpi eq, %jit3A_990, %eq3A_991 : i32
      %jit3A_993 = arith.constant 1 : i32
      %select_n3A_994 = arith.select %eq3A_992, %jit3A_993, %jit3A_990 : i32
      %rem3A_995 = arith.remsi %add3A_989, %select_n3A_994 : i32
      %ne3A_996 = arith.constant 0 : i32
      %ne3A_997 = arith.cmpi ne, %rem3A_995, %ne3A_996 : i32
      %lt3A_998 = arith.constant 0 : i32
      %lt3A_999 = arith.cmpi slt, %rem3A_995, %lt3A_998 : i32
      %lt3A_1000 = arith.constant 0 : i32
      %lt3A_1001 = arith.cmpi slt, %select_n3A_994, %lt3A_1000 : i32
      %ne3A_1002 = arith.xori %lt3A_999, %lt3A_1001 : i1
      %and3A_1003 = arith.andi %ne3A_1002, %ne3A_997 : i1
      %add3A_1004 = arith.addi %rem3A_995, %select_n3A_994 : i32
      %select_n3A_1005 = arith.select %and3A_1003, %add3A_1004, %rem3A_995 : i32
      %mul3A_1006 = arith.constant 2 : i32
      %mul3A_1007 = arith.muli %select_n3A_1005, %mul3A_1006 : i32
      %add3A_1008 = arith.addi %mul3A_2, %mul3A_1007 : i32
      %dma_start3A_1009 = arith.constant 3 : i32
      %dma_start3A_1010 = arith.constant 3 : i32
      %dma_start3A_1011 = arith.constant 0 : i32
      %dma_start3A_1012 = arith.constant 0 : i32
      %dma_start3A_1013 = tpu.memref_slice %arg5[%dma_start3A_1009, %dma_start3A_1011, %dma_start3A_1012] : memref<4x2x128xi32, #tpu.memory_space<vmem>> -> memref<1x2x128xi32, #tpu.memory_space<vmem>>
      %dma_start3A_1014 = tpu.memref_squeeze %dma_start3A_1013 : memref<1x2x128xi32, #tpu.memory_space<vmem>> -> memref<2x128xi32, #tpu.memory_space<vmem>>
      %dma_start3A_1015 = arith.constant 0 : i32
      %dma_start3A_1016 = tpu.memref_slice %arg3[%add3A_1008, %dma_start3A_1015] : memref<6400x128xi32, #tpu.memory_space<hbm>> -> memref<2x128xi32, #tpu.memory_space<hbm>>
      %dma_start3A_1017 = tpu.memref_slice %arg7[%dma_start3A_1010] : memref<4x!tpu.dma_semaphore, #tpu.memory_space<semaphore_mem>> -> memref<1x!tpu.dma_semaphore, #tpu.memory_space<semaphore_mem>>
      %dma_start3A_1018 = tpu.memref_squeeze %dma_start3A_1017 : memref<1x!tpu.dma_semaphore, #tpu.memory_space<semaphore_mem>> -> memref<!tpu.dma_semaphore, #tpu.memory_space<semaphore_mem>>
      %dma_start3A_1019 = arith.constant 0 : i32
      %dma_start3A_1020 = arith.constant 0 : i32
      %dma_start3A_1021 = tpu.memref_slice %arg5[%dma_start3A_1009, %dma_start3A_1019, %dma_start3A_1020] : memref<4x2x128xi32, #tpu.memory_space<vmem>> -> memref<1x2x128xi32, #tpu.memory_space<vmem>>
      %dma_start3A_1022 = tpu.memref_squeeze %dma_start3A_1021 : memref<1x2x128xi32, #tpu.memory_space<vmem>> -> memref<2x128xi32, #tpu.memory_space<vmem>>
      %dma_start3A_1023 = arith.constant 0 : i32
      %dma_start3A_1024 = tpu.memref_slice %arg3[%add3A_1008, %dma_start3A_1023] : memref<6400x128xi32, #tpu.memory_space<hbm>> -> memref<2x128xi32, #tpu.memory_space<hbm>>
      tpu.enqueue_dma source(%dma_start3A_1024 : memref<2x128xi32, #tpu.memory_space<hbm>>) target(%dma_start3A_1022 : memref<2x128xi32, #tpu.memory_space<vmem>>) target_semaphore(%dma_start3A_1018 : memref<!tpu.dma_semaphore, #tpu.memory_space<semaphore_mem>>)
      %mul3A_1025 = arith.constant 4 : i32
      %mul3A_1026 = arith.muli %mul3A_1025, %scan3A_696 : i32
      %add3A_1027 = arith.constant 2 : i32
      %add3A_1028 = arith.addi %mul3A_1026, %add3A_1027 : i32
      %add3A_1029 = arith.constant 2 : i32
      %add3A_1030 = arith.addi %add3A_1028, %add3A_1029 : i32
      %add3A_1031 = arith.constant 2 : i32
      %add3A_1032 = arith.addi %add3A_1030, %add3A_1031 : i32
      %sub3A_1033 = arith.constant 4 : i32
      %sub3A_1034 = arith.subi %add3A_1032, %sub3A_1033 : i32
      %mul3A_1035 = arith.constant 256 : i32
      %mul3A_1036 = arith.muli %sub3A_1034, %mul3A_1035 : i32
      %add3A_1037 = arith.addi %mul3A_4, %mul3A_1036 : i32
      %dma_wait3A_1038 = arith.constant 2 : i32
      %dma_wait3A_1039 = arith.constant 2 : i32
      %dma_wait3A_1040 = arith.constant 0 : i32
      %dma_wait3A_1041 = arith.constant 0 : i32
      %dma_wait3A_1042 = tpu.memref_slice %arg6[%dma_wait3A_1038, %dma_wait3A_1040, %dma_wait3A_1041] : memref<4x256x64xf32, #tpu.memory_space<vmem>> -> memref<1x256x64xf32, #tpu.memory_space<vmem>>
      %dma_wait3A_1043 = tpu.memref_squeeze %dma_wait3A_1042 : memref<1x256x64xf32, #tpu.memory_space<vmem>> -> memref<256x64xf32, #tpu.memory_space<vmem>>
      %dma_wait3A_1044 = arith.constant 0 : i32
      %dma_wait3A_1045 = tpu.memref_slice %arg4[%add3A_1037, %dma_wait3A_1044] : memref<819200x128xf32, #tpu.memory_space<hbm>> -> memref<256x64xf32, #tpu.memory_space<hbm>>
      %dma_wait3A_1046 = tpu.memref_slice %arg9[%dma_wait3A_1039] : memref<4x!tpu.dma_semaphore, #tpu.memory_space<semaphore_mem>> -> memref<1x!tpu.dma_semaphore, #tpu.memory_space<semaphore_mem>>
      %dma_wait3A_1047 = tpu.memref_squeeze %dma_wait3A_1046 : memref<1x!tpu.dma_semaphore, #tpu.memory_space<semaphore_mem>> -> memref<!tpu.dma_semaphore, #tpu.memory_space<semaphore_mem>>
      %dma_wait3A_1048 = arith.constant 0 : i32
      %dma_wait3A_1049 = tpu.memref_slice %arg4[%add3A_1037, %dma_wait3A_1048] : memref<819200x128xf32, #tpu.memory_space<hbm>> -> memref<256x64xf32, #tpu.memory_space<hbm>>
      %dma_wait3A_1050 = arith.constant 0 : i32
      %dma_wait3A_1051 = arith.constant 0 : i32
      %dma_wait3A_1052 = tpu.memref_slice %arg6[%dma_wait3A_1038, %dma_wait3A_1050, %dma_wait3A_1051] : memref<4x256x64xf32, #tpu.memory_space<vmem>> -> memref<1x256x64xf32, #tpu.memory_space<vmem>>
      %dma_wait3A_1053 = tpu.memref_squeeze %dma_wait3A_1052 : memref<1x256x64xf32, #tpu.memory_space<vmem>> -> memref<256x64xf32, #tpu.memory_space<vmem>>
      tpu.wait_dma2 semaphore(%dma_wait3A_1047 : memref<!tpu.dma_semaphore, #tpu.memory_space<semaphore_mem>>) src(%dma_wait3A_1053 : memref<256x64xf32, #tpu.memory_space<vmem>>) dst(%dma_wait3A_1049 : memref<256x64xf32, #tpu.memory_space<hbm>>)
      %mul3A_1054 = arith.constant 2 : i32
      %mul3A_1055 = arith.muli %add3A_1032, %mul3A_1054 : i32
      %add3A_1056 = arith.addi %mul3A_2, %mul3A_1055 : i32
      %dma_wait3A_1057 = arith.constant 2 : i32
      %dma_wait3A_1058 = arith.constant 2 : i32
      %dma_wait3A_1059 = arith.constant 0 : i32
      %dma_wait3A_1060 = arith.constant 0 : i32
      %dma_wait3A_1061 = tpu.memref_slice %arg5[%dma_wait3A_1057, %dma_wait3A_1059, %dma_wait3A_1060] : memref<4x2x128xi32, #tpu.memory_space<vmem>> -> memref<1x2x128xi32, #tpu.memory_space<vmem>>
      %dma_wait3A_1062 = tpu.memref_squeeze %dma_wait3A_1061 : memref<1x2x128xi32, #tpu.memory_space<vmem>> -> memref<2x128xi32, #tpu.memory_space<vmem>>
      %dma_wait3A_1063 = arith.constant 0 : i32
      %dma_wait3A_1064 = tpu.memref_slice %arg3[%add3A_1056, %dma_wait3A_1063] : memref<6400x128xi32, #tpu.memory_space<hbm>> -> memref<2x128xi32, #tpu.memory_space<hbm>>
      %dma_wait3A_1065 = tpu.memref_slice %arg7[%dma_wait3A_1058] : memref<4x!tpu.dma_semaphore, #tpu.memory_space<semaphore_mem>> -> memref<1x!tpu.dma_semaphore, #tpu.memory_space<semaphore_mem>>
      %dma_wait3A_1066 = tpu.memref_squeeze %dma_wait3A_1065 : memref<1x!tpu.dma_semaphore, #tpu.memory_space<semaphore_mem>> -> memref<!tpu.dma_semaphore, #tpu.memory_space<semaphore_mem>>
      %dma_wait3A_1067 = arith.constant 0 : i32
      %dma_wait3A_1068 = arith.constant 0 : i32
      %dma_wait3A_1069 = tpu.memref_slice %arg5[%dma_wait3A_1057, %dma_wait3A_1067, %dma_wait3A_1068] : memref<4x2x128xi32, #tpu.memory_space<vmem>> -> memref<1x2x128xi32, #tpu.memory_space<vmem>>
      %dma_wait3A_1070 = tpu.memref_squeeze %dma_wait3A_1069 : memref<1x2x128xi32, #tpu.memory_space<vmem>> -> memref<2x128xi32, #tpu.memory_space<vmem>>
      %dma_wait3A_1071 = arith.constant 0 : i32
      %dma_wait3A_1072 = tpu.memref_slice %arg3[%add3A_1056, %dma_wait3A_1071] : memref<6400x128xi32, #tpu.memory_space<hbm>> -> memref<2x128xi32, #tpu.memory_space<hbm>>
      tpu.wait_dma2 semaphore(%dma_wait3A_1066 : memref<!tpu.dma_semaphore, #tpu.memory_space<semaphore_mem>>) src(%dma_wait3A_1072 : memref<2x128xi32, #tpu.memory_space<hbm>>) dst(%dma_wait3A_1070 : memref<2x128xi32, #tpu.memory_space<vmem>>)
      %dma_start3A_1073 = arith.constant 2 : i32
      %dma_start3A_1074 = arith.constant 0 : i32
      %dma_start3A_1075 = arith.constant 2 : i32
      %dma_start3A_1076 = arith.constant 2 : i32
      %dma_start3A_1077 = arith.constant 0 : i32
      %dma_start3A_1078 = arith.constant 0 : i32
      %dma_start3A_1079 = tpu.memref_slice %arg6[%dma_start3A_1075, %dma_start3A_1077, %dma_start3A_1078] : memref<4x256x64xf32, #tpu.memory_space<vmem>> -> memref<1x128x64xf32, #tpu.memory_space<vmem>>
      %dma_start3A_1080 = tpu.memref_squeeze %dma_start3A_1079 : memref<1x128x64xf32, #tpu.memory_space<vmem>> -> memref<128x64xf32, #tpu.memory_space<vmem>>
      %dma_start3A_1081 = arith.constant 0 : i32
      %dma_start3A_1082 = tpu.memref_slice %arg5[%dma_start3A_1073, %dma_start3A_1074, %dma_start3A_1081] : memref<4x2x128xi32, #tpu.memory_space<vmem>> -> memref<1x1x128xi32, #tpu.memory_space<vmem>>
      %dma_start3A_1083 = tpu.memref_squeeze %dma_start3A_1082 : memref<1x1x128xi32, #tpu.memory_space<vmem>> -> memref<128xi32, #tpu.memory_space<vmem>>
      %dma_start3A_1084 = arith.constant 0 : i32
      %dma_start3A_1085 = arith.constant 0 : i32
      %dma_start3A_1086 = tpu.memref_slice %arg2[%dma_start3A_1084, %dma_start3A_1085] : memref<2000000x64xf32, #tpu.memory_space<hbm>> -> memref<2000000x64xf32, #tpu.memory_space<hbm>>
      %dma_start3A_1087 = tpu.memref_slice %arg8[%dma_start3A_1076] : memref<4x!tpu.dma_semaphore, #tpu.memory_space<semaphore_mem>> -> memref<1x!tpu.dma_semaphore, #tpu.memory_space<semaphore_mem>>
      %dma_start3A_1088 = tpu.memref_squeeze %dma_start3A_1087 : memref<1x!tpu.dma_semaphore, #tpu.memory_space<semaphore_mem>> -> memref<!tpu.dma_semaphore, #tpu.memory_space<semaphore_mem>>
      tpu.enqueue_indirect_dma source(%dma_start3A_1086 : memref<2000000x64xf32, #tpu.memory_space<hbm>>) target(%dma_start3A_1080 : memref<128x64xf32, #tpu.memory_space<vmem>>) offsets(%dma_start3A_1083 : memref<128xi32, #tpu.memory_space<vmem>>) semaphore(%dma_start3A_1088 : memref<!tpu.dma_semaphore, #tpu.memory_space<semaphore_mem>>)
      %dma_start3A_1089 = arith.constant 2 : i32
      %dma_start3A_1090 = arith.constant 1 : i32
      %dma_start3A_1091 = arith.constant 2 : i32
      %dma_start3A_1092 = arith.constant 2 : i32
      %dma_start3A_1093 = arith.constant 128 : i32
      %dma_start3A_1094 = arith.constant 0 : i32
      %dma_start3A_1095 = tpu.memref_slice %arg6[%dma_start3A_1091, %dma_start3A_1093, %dma_start3A_1094] : memref<4x256x64xf32, #tpu.memory_space<vmem>> -> memref<1x128x64xf32, #tpu.memory_space<vmem>>
      %dma_start3A_1096 = tpu.memref_squeeze %dma_start3A_1095 : memref<1x128x64xf32, #tpu.memory_space<vmem>> -> memref<128x64xf32, #tpu.memory_space<vmem>>
      %dma_start3A_1097 = arith.constant 0 : i32
      %dma_start3A_1098 = tpu.memref_slice %arg5[%dma_start3A_1089, %dma_start3A_1090, %dma_start3A_1097] : memref<4x2x128xi32, #tpu.memory_space<vmem>> -> memref<1x1x128xi32, #tpu.memory_space<vmem>>
      %dma_start3A_1099 = tpu.memref_squeeze %dma_start3A_1098 : memref<1x1x128xi32, #tpu.memory_space<vmem>> -> memref<128xi32, #tpu.memory_space<vmem>>
      %dma_start3A_1100 = arith.constant 0 : i32
      %dma_start3A_1101 = arith.constant 0 : i32
      %dma_start3A_1102 = tpu.memref_slice %arg2[%dma_start3A_1100, %dma_start3A_1101] : memref<2000000x64xf32, #tpu.memory_space<hbm>> -> memref<2000000x64xf32, #tpu.memory_space<hbm>>
      %dma_start3A_1103 = tpu.memref_slice %arg8[%dma_start3A_1092] : memref<4x!tpu.dma_semaphore, #tpu.memory_space<semaphore_mem>> -> memref<1x!tpu.dma_semaphore, #tpu.memory_space<semaphore_mem>>
      %dma_start3A_1104 = tpu.memref_squeeze %dma_start3A_1103 : memref<1x!tpu.dma_semaphore, #tpu.memory_space<semaphore_mem>> -> memref<!tpu.dma_semaphore, #tpu.memory_space<semaphore_mem>>
      tpu.enqueue_indirect_dma source(%dma_start3A_1102 : memref<2000000x64xf32, #tpu.memory_space<hbm>>) target(%dma_start3A_1096 : memref<128x64xf32, #tpu.memory_space<vmem>>) offsets(%dma_start3A_1099 : memref<128xi32, #tpu.memory_space<vmem>>) semaphore(%dma_start3A_1104 : memref<!tpu.dma_semaphore, #tpu.memory_space<semaphore_mem>>)
      %dma_wait3A_1105 = arith.constant 0 : i32
      %dma_wait3A_1106 = arith.constant 0 : i32
      %dma_wait3A_1107 = arith.constant 0 : i32
      %dma_wait3A_1108 = arith.constant 0 : i32
      %dma_wait3A_1109 = arith.constant 0 : i32
      %dma_wait3A_1110 = arith.constant 0 : i32
      %dma_wait3A_1111 = tpu.memref_slice %arg6[%dma_wait3A_1107, %dma_wait3A_1109, %dma_wait3A_1110] : memref<4x256x64xf32, #tpu.memory_space<vmem>> -> memref<1x128x64xf32, #tpu.memory_space<vmem>>
      %dma_wait3A_1112 = tpu.memref_squeeze %dma_wait3A_1111 : memref<1x128x64xf32, #tpu.memory_space<vmem>> -> memref<128x64xf32, #tpu.memory_space<vmem>>
      %dma_wait3A_1113 = arith.constant 0 : i32
      %dma_wait3A_1114 = tpu.memref_slice %arg5[%dma_wait3A_1105, %dma_wait3A_1106, %dma_wait3A_1113] : memref<4x2x128xi32, #tpu.memory_space<vmem>> -> memref<1x1x128xi32, #tpu.memory_space<vmem>>
      %dma_wait3A_1115 = tpu.memref_squeeze %dma_wait3A_1114 : memref<1x1x128xi32, #tpu.memory_space<vmem>> -> memref<128xi32, #tpu.memory_space<vmem>>
      %dma_wait3A_1116 = arith.constant 0 : i32
      %dma_wait3A_1117 = arith.constant 0 : i32
      %dma_wait3A_1118 = tpu.memref_slice %arg2[%dma_wait3A_1116, %dma_wait3A_1117] : memref<2000000x64xf32, #tpu.memory_space<hbm>> -> memref<2000000x64xf32, #tpu.memory_space<hbm>>
      %dma_wait3A_1119 = tpu.memref_slice %arg8[%dma_wait3A_1108] : memref<4x!tpu.dma_semaphore, #tpu.memory_space<semaphore_mem>> -> memref<1x!tpu.dma_semaphore, #tpu.memory_space<semaphore_mem>>
      %dma_wait3A_1120 = tpu.memref_squeeze %dma_wait3A_1119 : memref<1x!tpu.dma_semaphore, #tpu.memory_space<semaphore_mem>> -> memref<!tpu.dma_semaphore, #tpu.memory_space<semaphore_mem>>
      tpu.wait_indirect_dma semaphore(%dma_wait3A_1120 : memref<!tpu.dma_semaphore, #tpu.memory_space<semaphore_mem>>) src(%dma_wait3A_1118 : memref<2000000x64xf32, #tpu.memory_space<hbm>>) dst(%dma_wait3A_1112 : memref<128x64xf32, #tpu.memory_space<vmem>>)
      %dma_wait3A_1121 = arith.constant 0 : i32
      %dma_wait3A_1122 = arith.constant 1 : i32
      %dma_wait3A_1123 = arith.constant 0 : i32
      %dma_wait3A_1124 = arith.constant 0 : i32
      %dma_wait3A_1125 = arith.constant 128 : i32
      %dma_wait3A_1126 = arith.constant 0 : i32
      %dma_wait3A_1127 = tpu.memref_slice %arg6[%dma_wait3A_1123, %dma_wait3A_1125, %dma_wait3A_1126] : memref<4x256x64xf32, #tpu.memory_space<vmem>> -> memref<1x128x64xf32, #tpu.memory_space<vmem>>
      %dma_wait3A_1128 = tpu.memref_squeeze %dma_wait3A_1127 : memref<1x128x64xf32, #tpu.memory_space<vmem>> -> memref<128x64xf32, #tpu.memory_space<vmem>>
      %dma_wait3A_1129 = arith.constant 0 : i32
      %dma_wait3A_1130 = tpu.memref_slice %arg5[%dma_wait3A_1121, %dma_wait3A_1122, %dma_wait3A_1129] : memref<4x2x128xi32, #tpu.memory_space<vmem>> -> memref<1x1x128xi32, #tpu.memory_space<vmem>>
      %dma_wait3A_1131 = tpu.memref_squeeze %dma_wait3A_1130 : memref<1x1x128xi32, #tpu.memory_space<vmem>> -> memref<128xi32, #tpu.memory_space<vmem>>
      %dma_wait3A_1132 = arith.constant 0 : i32
      %dma_wait3A_1133 = arith.constant 0 : i32
      %dma_wait3A_1134 = tpu.memref_slice %arg2[%dma_wait3A_1132, %dma_wait3A_1133] : memref<2000000x64xf32, #tpu.memory_space<hbm>> -> memref<2000000x64xf32, #tpu.memory_space<hbm>>
      %dma_wait3A_1135 = tpu.memref_slice %arg8[%dma_wait3A_1124] : memref<4x!tpu.dma_semaphore, #tpu.memory_space<semaphore_mem>> -> memref<1x!tpu.dma_semaphore, #tpu.memory_space<semaphore_mem>>
      %dma_wait3A_1136 = tpu.memref_squeeze %dma_wait3A_1135 : memref<1x!tpu.dma_semaphore, #tpu.memory_space<semaphore_mem>> -> memref<!tpu.dma_semaphore, #tpu.memory_space<semaphore_mem>>
      tpu.wait_indirect_dma semaphore(%dma_wait3A_1136 : memref<!tpu.dma_semaphore, #tpu.memory_space<semaphore_mem>>) src(%dma_wait3A_1134 : memref<2000000x64xf32, #tpu.memory_space<hbm>>) dst(%dma_wait3A_1128 : memref<128x64xf32, #tpu.memory_space<vmem>>)
      %mul3A_1137 = arith.constant 256 : i32
      %mul3A_1138 = arith.muli %add3A_1030, %mul3A_1137 : i32
      %add3A_1139 = arith.addi %mul3A_4, %mul3A_1138 : i32
      %dma_start3A_1140 = arith.constant 0 : i32
      %dma_start3A_1141 = arith.constant 0 : i32
      %dma_start3A_1142 = arith.constant 0 : i32
      %dma_start3A_1143 = arith.constant 0 : i32
      %dma_start3A_1144 = tpu.memref_slice %arg6[%dma_start3A_1140, %dma_start3A_1142, %dma_start3A_1143] : memref<4x256x64xf32, #tpu.memory_space<vmem>> -> memref<1x256x64xf32, #tpu.memory_space<vmem>>
      %dma_start3A_1145 = tpu.memref_squeeze %dma_start3A_1144 : memref<1x256x64xf32, #tpu.memory_space<vmem>> -> memref<256x64xf32, #tpu.memory_space<vmem>>
      %dma_start3A_1146 = arith.constant 0 : i32
      %dma_start3A_1147 = tpu.memref_slice %arg4[%add3A_1139, %dma_start3A_1146] : memref<819200x128xf32, #tpu.memory_space<hbm>> -> memref<256x64xf32, #tpu.memory_space<hbm>>
      %dma_start3A_1148 = tpu.memref_slice %arg9[%dma_start3A_1141] : memref<4x!tpu.dma_semaphore, #tpu.memory_space<semaphore_mem>> -> memref<1x!tpu.dma_semaphore, #tpu.memory_space<semaphore_mem>>
      %dma_start3A_1149 = tpu.memref_squeeze %dma_start3A_1148 : memref<1x!tpu.dma_semaphore, #tpu.memory_space<semaphore_mem>> -> memref<!tpu.dma_semaphore, #tpu.memory_space<semaphore_mem>>
      %dma_start3A_1150 = arith.constant 0 : i32
      %dma_start3A_1151 = tpu.memref_slice %arg4[%add3A_1139, %dma_start3A_1150] : memref<819200x128xf32, #tpu.memory_space<hbm>> -> memref<256x64xf32, #tpu.memory_space<hbm>>
      %dma_start3A_1152 = arith.constant 0 : i32
      %dma_start3A_1153 = arith.constant 0 : i32
      %dma_start3A_1154 = tpu.memref_slice %arg6[%dma_start3A_1140, %dma_start3A_1152, %dma_start3A_1153] : memref<4x256x64xf32, #tpu.memory_space<vmem>> -> memref<1x256x64xf32, #tpu.memory_space<vmem>>
      %dma_start3A_1155 = tpu.memref_squeeze %dma_start3A_1154 : memref<1x256x64xf32, #tpu.memory_space<vmem>> -> memref<256x64xf32, #tpu.memory_space<vmem>>
      tpu.enqueue_dma source(%dma_start3A_1155 : memref<256x64xf32, #tpu.memory_space<vmem>>) target(%dma_start3A_1151 : memref<256x64xf32, #tpu.memory_space<hbm>>) target_semaphore(%dma_start3A_1149 : memref<!tpu.dma_semaphore, #tpu.memory_space<semaphore_mem>>)
      %add3A_1156 = arith.constant 4 : i32
      %add3A_1157 = arith.addi %add3A_1030, %add3A_1156 : i32
      %jit3A_1158 = arith.constant 100 : i32
      %eq3A_1159 = arith.constant 0 : i32
      %eq3A_1160 = arith.cmpi eq, %jit3A_1158, %eq3A_1159 : i32
      %jit3A_1161 = arith.constant 1 : i32
      %select_n3A_1162 = arith.select %eq3A_1160, %jit3A_1161, %jit3A_1158 : i32
      %rem3A_1163 = arith.remsi %add3A_1157, %select_n3A_1162 : i32
      %ne3A_1164 = arith.constant 0 : i32
      %ne3A_1165 = arith.cmpi ne, %rem3A_1163, %ne3A_1164 : i32
      %lt3A_1166 = arith.constant 0 : i32
      %lt3A_1167 = arith.cmpi slt, %rem3A_1163, %lt3A_1166 : i32
      %lt3A_1168 = arith.constant 0 : i32
      %lt3A_1169 = arith.cmpi slt, %select_n3A_1162, %lt3A_1168 : i32
      %ne3A_1170 = arith.xori %lt3A_1167, %lt3A_1169 : i1
      %and3A_1171 = arith.andi %ne3A_1170, %ne3A_1165 : i1
      %add3A_1172 = arith.addi %rem3A_1163, %select_n3A_1162 : i32
      %select_n3A_1173 = arith.select %and3A_1171, %add3A_1172, %rem3A_1163 : i32
      %mul3A_1174 = arith.constant 2 : i32
      %mul3A_1175 = arith.muli %select_n3A_1173, %mul3A_1174 : i32
      %add3A_1176 = arith.addi %mul3A_2, %mul3A_1175 : i32
      %dma_start3A_1177 = arith.constant 0 : i32
      %dma_start3A_1178 = arith.constant 0 : i32
      %dma_start3A_1179 = arith.constant 0 : i32
      %dma_start3A_1180 = arith.constant 0 : i32
      %dma_start3A_1181 = tpu.memref_slice %arg5[%dma_start3A_1177, %dma_start3A_1179, %dma_start3A_1180] : memref<4x2x128xi32, #tpu.memory_space<vmem>> -> memref<1x2x128xi32, #tpu.memory_space<vmem>>
      %dma_start3A_1182 = tpu.memref_squeeze %dma_start3A_1181 : memref<1x2x128xi32, #tpu.memory_space<vmem>> -> memref<2x128xi32, #tpu.memory_space<vmem>>
      %dma_start3A_1183 = arith.constant 0 : i32
      %dma_start3A_1184 = tpu.memref_slice %arg3[%add3A_1176, %dma_start3A_1183] : memref<6400x128xi32, #tpu.memory_space<hbm>> -> memref<2x128xi32, #tpu.memory_space<hbm>>
      %dma_start3A_1185 = tpu.memref_slice %arg7[%dma_start3A_1178] : memref<4x!tpu.dma_semaphore, #tpu.memory_space<semaphore_mem>> -> memref<1x!tpu.dma_semaphore, #tpu.memory_space<semaphore_mem>>
      %dma_start3A_1186 = tpu.memref_squeeze %dma_start3A_1185 : memref<1x!tpu.dma_semaphore, #tpu.memory_space<semaphore_mem>> -> memref<!tpu.dma_semaphore, #tpu.memory_space<semaphore_mem>>
      %dma_start3A_1187 = arith.constant 0 : i32
      %dma_start3A_1188 = arith.constant 0 : i32
      %dma_start3A_1189 = tpu.memref_slice %arg5[%dma_start3A_1177, %dma_start3A_1187, %dma_start3A_1188] : memref<4x2x128xi32, #tpu.memory_space<vmem>> -> memref<1x2x128xi32, #tpu.memory_space<vmem>>
      %dma_start3A_1190 = tpu.memref_squeeze %dma_start3A_1189 : memref<1x2x128xi32, #tpu.memory_space<vmem>> -> memref<2x128xi32, #tpu.memory_space<vmem>>
      %dma_start3A_1191 = arith.constant 0 : i32
      %dma_start3A_1192 = tpu.memref_slice %arg3[%add3A_1176, %dma_start3A_1191] : memref<6400x128xi32, #tpu.memory_space<hbm>> -> memref<2x128xi32, #tpu.memory_space<hbm>>
      tpu.enqueue_dma source(%dma_start3A_1192 : memref<2x128xi32, #tpu.memory_space<hbm>>) target(%dma_start3A_1190 : memref<2x128xi32, #tpu.memory_space<vmem>>) target_semaphore(%dma_start3A_1186 : memref<!tpu.dma_semaphore, #tpu.memory_space<semaphore_mem>>)
      %mul3A_1193 = arith.constant 4 : i32
      %mul3A_1194 = arith.muli %mul3A_1193, %scan3A_696 : i32
      %add3A_1195 = arith.constant 2 : i32
      %add3A_1196 = arith.addi %mul3A_1194, %add3A_1195 : i32
      %add3A_1197 = arith.constant 3 : i32
      %add3A_1198 = arith.addi %add3A_1196, %add3A_1197 : i32
      %add3A_1199 = arith.constant 2 : i32
      %add3A_1200 = arith.addi %add3A_1198, %add3A_1199 : i32
      %sub3A_1201 = arith.constant 4 : i32
      %sub3A_1202 = arith.subi %add3A_1200, %sub3A_1201 : i32
      %mul3A_1203 = arith.constant 256 : i32
      %mul3A_1204 = arith.muli %sub3A_1202, %mul3A_1203 : i32
      %add3A_1205 = arith.addi %mul3A_4, %mul3A_1204 : i32
      %dma_wait3A_1206 = arith.constant 3 : i32
      %dma_wait3A_1207 = arith.constant 3 : i32
      %dma_wait3A_1208 = arith.constant 0 : i32
      %dma_wait3A_1209 = arith.constant 0 : i32
      %dma_wait3A_1210 = tpu.memref_slice %arg6[%dma_wait3A_1206, %dma_wait3A_1208, %dma_wait3A_1209] : memref<4x256x64xf32, #tpu.memory_space<vmem>> -> memref<1x256x64xf32, #tpu.memory_space<vmem>>
      %dma_wait3A_1211 = tpu.memref_squeeze %dma_wait3A_1210 : memref<1x256x64xf32, #tpu.memory_space<vmem>> -> memref<256x64xf32, #tpu.memory_space<vmem>>
      %dma_wait3A_1212 = arith.constant 0 : i32
      %dma_wait3A_1213 = tpu.memref_slice %arg4[%add3A_1205, %dma_wait3A_1212] : memref<819200x128xf32, #tpu.memory_space<hbm>> -> memref<256x64xf32, #tpu.memory_space<hbm>>
      %dma_wait3A_1214 = tpu.memref_slice %arg9[%dma_wait3A_1207] : memref<4x!tpu.dma_semaphore, #tpu.memory_space<semaphore_mem>> -> memref<1x!tpu.dma_semaphore, #tpu.memory_space<semaphore_mem>>
      %dma_wait3A_1215 = tpu.memref_squeeze %dma_wait3A_1214 : memref<1x!tpu.dma_semaphore, #tpu.memory_space<semaphore_mem>> -> memref<!tpu.dma_semaphore, #tpu.memory_space<semaphore_mem>>
      %dma_wait3A_1216 = arith.constant 0 : i32
      %dma_wait3A_1217 = tpu.memref_slice %arg4[%add3A_1205, %dma_wait3A_1216] : memref<819200x128xf32, #tpu.memory_space<hbm>> -> memref<256x64xf32, #tpu.memory_space<hbm>>
      %dma_wait3A_1218 = arith.constant 0 : i32
      %dma_wait3A_1219 = arith.constant 0 : i32
      %dma_wait3A_1220 = tpu.memref_slice %arg6[%dma_wait3A_1206, %dma_wait3A_1218, %dma_wait3A_1219] : memref<4x256x64xf32, #tpu.memory_space<vmem>> -> memref<1x256x64xf32, #tpu.memory_space<vmem>>
      %dma_wait3A_1221 = tpu.memref_squeeze %dma_wait3A_1220 : memref<1x256x64xf32, #tpu.memory_space<vmem>> -> memref<256x64xf32, #tpu.memory_space<vmem>>
      tpu.wait_dma2 semaphore(%dma_wait3A_1215 : memref<!tpu.dma_semaphore, #tpu.memory_space<semaphore_mem>>) src(%dma_wait3A_1221 : memref<256x64xf32, #tpu.memory_space<vmem>>) dst(%dma_wait3A_1217 : memref<256x64xf32, #tpu.memory_space<hbm>>)
      %mul3A_1222 = arith.constant 2 : i32
      %mul3A_1223 = arith.muli %add3A_1200, %mul3A_1222 : i32
      %add3A_1224 = arith.addi %mul3A_2, %mul3A_1223 : i32
      %dma_wait3A_1225 = arith.constant 3 : i32
      %dma_wait3A_1226 = arith.constant 3 : i32
      %dma_wait3A_1227 = arith.constant 0 : i32
      %dma_wait3A_1228 = arith.constant 0 : i32
      %dma_wait3A_1229 = tpu.memref_slice %arg5[%dma_wait3A_1225, %dma_wait3A_1227, %dma_wait3A_1228] : memref<4x2x128xi32, #tpu.memory_space<vmem>> -> memref<1x2x128xi32, #tpu.memory_space<vmem>>
      %dma_wait3A_1230 = tpu.memref_squeeze %dma_wait3A_1229 : memref<1x2x128xi32, #tpu.memory_space<vmem>> -> memref<2x128xi32, #tpu.memory_space<vmem>>
      %dma_wait3A_1231 = arith.constant 0 : i32
      %dma_wait3A_1232 = tpu.memref_slice %arg3[%add3A_1224, %dma_wait3A_1231] : memref<6400x128xi32, #tpu.memory_space<hbm>> -> memref<2x128xi32, #tpu.memory_space<hbm>>
      %dma_wait3A_1233 = tpu.memref_slice %arg7[%dma_wait3A_1226] : memref<4x!tpu.dma_semaphore, #tpu.memory_space<semaphore_mem>> -> memref<1x!tpu.dma_semaphore, #tpu.memory_space<semaphore_mem>>
      %dma_wait3A_1234 = tpu.memref_squeeze %dma_wait3A_1233 : memref<1x!tpu.dma_semaphore, #tpu.memory_space<semaphore_mem>> -> memref<!tpu.dma_semaphore, #tpu.memory_space<semaphore_mem>>
      %dma_wait3A_1235 = arith.constant 0 : i32
      %dma_wait3A_1236 = arith.constant 0 : i32
      %dma_wait3A_1237 = tpu.memref_slice %arg5[%dma_wait3A_1225, %dma_wait3A_1235, %dma_wait3A_1236] : memref<4x2x128xi32, #tpu.memory_space<vmem>> -> memref<1x2x128xi32, #tpu.memory_space<vmem>>
      %dma_wait3A_1238 = tpu.memref_squeeze %dma_wait3A_1237 : memref<1x2x128xi32, #tpu.memory_space<vmem>> -> memref<2x128xi32, #tpu.memory_space<vmem>>
      %dma_wait3A_1239 = arith.constant 0 : i32
      %dma_wait3A_1240 = tpu.memref_slice %arg3[%add3A_1224, %dma_wait3A_1239] : memref<6400x128xi32, #tpu.memory_space<hbm>> -> memref<2x128xi32, #tpu.memory_space<hbm>>
      tpu.wait_dma2 semaphore(%dma_wait3A_1234 : memref<!tpu.dma_semaphore, #tpu.memory_space<semaphore_mem>>) src(%dma_wait3A_1240 : memref<2x128xi32, #tpu.memory_space<hbm>>) dst(%dma_wait3A_1238 : memref<2x128xi32, #tpu.memory_space<vmem>>)
      %dma_start3A_1241 = arith.constant 3 : i32
      %dma_start3A_1242 = arith.constant 0 : i32
      %dma_start3A_1243 = arith.constant 3 : i32
      %dma_start3A_1244 = arith.constant 3 : i32
      %dma_start3A_1245 = arith.constant 0 : i32
      %dma_start3A_1246 = arith.constant 0 : i32
      %dma_start3A_1247 = tpu.memref_slice %arg6[%dma_start3A_1243, %dma_start3A_1245, %dma_start3A_1246] : memref<4x256x64xf32, #tpu.memory_space<vmem>> -> memref<1x128x64xf32, #tpu.memory_space<vmem>>
      %dma_start3A_1248 = tpu.memref_squeeze %dma_start3A_1247 : memref<1x128x64xf32, #tpu.memory_space<vmem>> -> memref<128x64xf32, #tpu.memory_space<vmem>>
      %dma_start3A_1249 = arith.constant 0 : i32
      %dma_start3A_1250 = tpu.memref_slice %arg5[%dma_start3A_1241, %dma_start3A_1242, %dma_start3A_1249] : memref<4x2x128xi32, #tpu.memory_space<vmem>> -> memref<1x1x128xi32, #tpu.memory_space<vmem>>
      %dma_start3A_1251 = tpu.memref_squeeze %dma_start3A_1250 : memref<1x1x128xi32, #tpu.memory_space<vmem>> -> memref<128xi32, #tpu.memory_space<vmem>>
      %dma_start3A_1252 = arith.constant 0 : i32
      %dma_start3A_1253 = arith.constant 0 : i32
      %dma_start3A_1254 = tpu.memref_slice %arg2[%dma_start3A_1252, %dma_start3A_1253] : memref<2000000x64xf32, #tpu.memory_space<hbm>> -> memref<2000000x64xf32, #tpu.memory_space<hbm>>
      %dma_start3A_1255 = tpu.memref_slice %arg8[%dma_start3A_1244] : memref<4x!tpu.dma_semaphore, #tpu.memory_space<semaphore_mem>> -> memref<1x!tpu.dma_semaphore, #tpu.memory_space<semaphore_mem>>
      %dma_start3A_1256 = tpu.memref_squeeze %dma_start3A_1255 : memref<1x!tpu.dma_semaphore, #tpu.memory_space<semaphore_mem>> -> memref<!tpu.dma_semaphore, #tpu.memory_space<semaphore_mem>>
      tpu.enqueue_indirect_dma source(%dma_start3A_1254 : memref<2000000x64xf32, #tpu.memory_space<hbm>>) target(%dma_start3A_1248 : memref<128x64xf32, #tpu.memory_space<vmem>>) offsets(%dma_start3A_1251 : memref<128xi32, #tpu.memory_space<vmem>>) semaphore(%dma_start3A_1256 : memref<!tpu.dma_semaphore, #tpu.memory_space<semaphore_mem>>)
      %dma_start3A_1257 = arith.constant 3 : i32
      %dma_start3A_1258 = arith.constant 1 : i32
      %dma_start3A_1259 = arith.constant 3 : i32
      %dma_start3A_1260 = arith.constant 3 : i32
      %dma_start3A_1261 = arith.constant 128 : i32
      %dma_start3A_1262 = arith.constant 0 : i32
      %dma_start3A_1263 = tpu.memref_slice %arg6[%dma_start3A_1259, %dma_start3A_1261, %dma_start3A_1262] : memref<4x256x64xf32, #tpu.memory_space<vmem>> -> memref<1x128x64xf32, #tpu.memory_space<vmem>>
      %dma_start3A_1264 = tpu.memref_squeeze %dma_start3A_1263 : memref<1x128x64xf32, #tpu.memory_space<vmem>> -> memref<128x64xf32, #tpu.memory_space<vmem>>
      %dma_start3A_1265 = arith.constant 0 : i32
      %dma_start3A_1266 = tpu.memref_slice %arg5[%dma_start3A_1257, %dma_start3A_1258, %dma_start3A_1265] : memref<4x2x128xi32, #tpu.memory_space<vmem>> -> memref<1x1x128xi32, #tpu.memory_space<vmem>>
      %dma_start3A_1267 = tpu.memref_squeeze %dma_start3A_1266 : memref<1x1x128xi32, #tpu.memory_space<vmem>> -> memref<128xi32, #tpu.memory_space<vmem>>
      %dma_start3A_1268 = arith.constant 0 : i32
      %dma_start3A_1269 = arith.constant 0 : i32
      %dma_start3A_1270 = tpu.memref_slice %arg2[%dma_start3A_1268, %dma_start3A_1269] : memref<2000000x64xf32, #tpu.memory_space<hbm>> -> memref<2000000x64xf32, #tpu.memory_space<hbm>>
      %dma_start3A_1271 = tpu.memref_slice %arg8[%dma_start3A_1260] : memref<4x!tpu.dma_semaphore, #tpu.memory_space<semaphore_mem>> -> memref<1x!tpu.dma_semaphore, #tpu.memory_space<semaphore_mem>>
      %dma_start3A_1272 = tpu.memref_squeeze %dma_start3A_1271 : memref<1x!tpu.dma_semaphore, #tpu.memory_space<semaphore_mem>> -> memref<!tpu.dma_semaphore, #tpu.memory_space<semaphore_mem>>
      tpu.enqueue_indirect_dma source(%dma_start3A_1270 : memref<2000000x64xf32, #tpu.memory_space<hbm>>) target(%dma_start3A_1264 : memref<128x64xf32, #tpu.memory_space<vmem>>) offsets(%dma_start3A_1267 : memref<128xi32, #tpu.memory_space<vmem>>) semaphore(%dma_start3A_1272 : memref<!tpu.dma_semaphore, #tpu.memory_space<semaphore_mem>>)
      %dma_wait3A_1273 = arith.constant 1 : i32
      %dma_wait3A_1274 = arith.constant 0 : i32
      %dma_wait3A_1275 = arith.constant 1 : i32
      %dma_wait3A_1276 = arith.constant 1 : i32
      %dma_wait3A_1277 = arith.constant 0 : i32
      %dma_wait3A_1278 = arith.constant 0 : i32
      %dma_wait3A_1279 = tpu.memref_slice %arg6[%dma_wait3A_1275, %dma_wait3A_1277, %dma_wait3A_1278] : memref<4x256x64xf32, #tpu.memory_space<vmem>> -> memref<1x128x64xf32, #tpu.memory_space<vmem>>
      %dma_wait3A_1280 = tpu.memref_squeeze %dma_wait3A_1279 : memref<1x128x64xf32, #tpu.memory_space<vmem>> -> memref<128x64xf32, #tpu.memory_space<vmem>>
      %dma_wait3A_1281 = arith.constant 0 : i32
      %dma_wait3A_1282 = tpu.memref_slice %arg5[%dma_wait3A_1273, %dma_wait3A_1274, %dma_wait3A_1281] : memref<4x2x128xi32, #tpu.memory_space<vmem>> -> memref<1x1x128xi32, #tpu.memory_space<vmem>>
      %dma_wait3A_1283 = tpu.memref_squeeze %dma_wait3A_1282 : memref<1x1x128xi32, #tpu.memory_space<vmem>> -> memref<128xi32, #tpu.memory_space<vmem>>
      %dma_wait3A_1284 = arith.constant 0 : i32
      %dma_wait3A_1285 = arith.constant 0 : i32
      %dma_wait3A_1286 = tpu.memref_slice %arg2[%dma_wait3A_1284, %dma_wait3A_1285] : memref<2000000x64xf32, #tpu.memory_space<hbm>> -> memref<2000000x64xf32, #tpu.memory_space<hbm>>
      %dma_wait3A_1287 = tpu.memref_slice %arg8[%dma_wait3A_1276] : memref<4x!tpu.dma_semaphore, #tpu.memory_space<semaphore_mem>> -> memref<1x!tpu.dma_semaphore, #tpu.memory_space<semaphore_mem>>
      %dma_wait3A_1288 = tpu.memref_squeeze %dma_wait3A_1287 : memref<1x!tpu.dma_semaphore, #tpu.memory_space<semaphore_mem>> -> memref<!tpu.dma_semaphore, #tpu.memory_space<semaphore_mem>>
      tpu.wait_indirect_dma semaphore(%dma_wait3A_1288 : memref<!tpu.dma_semaphore, #tpu.memory_space<semaphore_mem>>) src(%dma_wait3A_1286 : memref<2000000x64xf32, #tpu.memory_space<hbm>>) dst(%dma_wait3A_1280 : memref<128x64xf32, #tpu.memory_space<vmem>>)
      %dma_wait3A_1289 = arith.constant 1 : i32
      %dma_wait3A_1290 = arith.constant 1 : i32
      %dma_wait3A_1291 = arith.constant 1 : i32
      %dma_wait3A_1292 = arith.constant 1 : i32
      %dma_wait3A_1293 = arith.constant 128 : i32
      %dma_wait3A_1294 = arith.constant 0 : i32
      %dma_wait3A_1295 = tpu.memref_slice %arg6[%dma_wait3A_1291, %dma_wait3A_1293, %dma_wait3A_1294] : memref<4x256x64xf32, #tpu.memory_space<vmem>> -> memref<1x128x64xf32, #tpu.memory_space<vmem>>
      %dma_wait3A_1296 = tpu.memref_squeeze %dma_wait3A_1295 : memref<1x128x64xf32, #tpu.memory_space<vmem>> -> memref<128x64xf32, #tpu.memory_space<vmem>>
      %dma_wait3A_1297 = arith.constant 0 : i32
      %dma_wait3A_1298 = tpu.memref_slice %arg5[%dma_wait3A_1289, %dma_wait3A_1290, %dma_wait3A_1297] : memref<4x2x128xi32, #tpu.memory_space<vmem>> -> memref<1x1x128xi32, #tpu.memory_space<vmem>>
      %dma_wait3A_1299 = tpu.memref_squeeze %dma_wait3A_1298 : memref<1x1x128xi32, #tpu.memory_space<vmem>> -> memref<128xi32, #tpu.memory_space<vmem>>
      %dma_wait3A_1300 = arith.constant 0 : i32
      %dma_wait3A_1301 = arith.constant 0 : i32
      %dma_wait3A_1302 = tpu.memref_slice %arg2[%dma_wait3A_1300, %dma_wait3A_1301] : memref<2000000x64xf32, #tpu.memory_space<hbm>> -> memref<2000000x64xf32, #tpu.memory_space<hbm>>
      %dma_wait3A_1303 = tpu.memref_slice %arg8[%dma_wait3A_1292] : memref<4x!tpu.dma_semaphore, #tpu.memory_space<semaphore_mem>> -> memref<1x!tpu.dma_semaphore, #tpu.memory_space<semaphore_mem>>
      %dma_wait3A_1304 = tpu.memref_squeeze %dma_wait3A_1303 : memref<1x!tpu.dma_semaphore, #tpu.memory_space<semaphore_mem>> -> memref<!tpu.dma_semaphore, #tpu.memory_space<semaphore_mem>>
      tpu.wait_indirect_dma semaphore(%dma_wait3A_1304 : memref<!tpu.dma_semaphore, #tpu.memory_space<semaphore_mem>>) src(%dma_wait3A_1302 : memref<2000000x64xf32, #tpu.memory_space<hbm>>) dst(%dma_wait3A_1296 : memref<128x64xf32, #tpu.memory_space<vmem>>)
      %mul3A_1305 = arith.constant 256 : i32
      %mul3A_1306 = arith.muli %add3A_1198, %mul3A_1305 : i32
      %add3A_1307 = arith.addi %mul3A_4, %mul3A_1306 : i32
      %dma_start3A_1308 = arith.constant 1 : i32
      %dma_start3A_1309 = arith.constant 1 : i32
      %dma_start3A_1310 = arith.constant 0 : i32
      %dma_start3A_1311 = arith.constant 0 : i32
      %dma_start3A_1312 = tpu.memref_slice %arg6[%dma_start3A_1308, %dma_start3A_1310, %dma_start3A_1311] : memref<4x256x64xf32, #tpu.memory_space<vmem>> -> memref<1x256x64xf32, #tpu.memory_space<vmem>>
      %dma_start3A_1313 = tpu.memref_squeeze %dma_start3A_1312 : memref<1x256x64xf32, #tpu.memory_space<vmem>> -> memref<256x64xf32, #tpu.memory_space<vmem>>
      %dma_start3A_1314 = arith.constant 0 : i32
      %dma_start3A_1315 = tpu.memref_slice %arg4[%add3A_1307, %dma_start3A_1314] : memref<819200x128xf32, #tpu.memory_space<hbm>> -> memref<256x64xf32, #tpu.memory_space<hbm>>
      %dma_start3A_1316 = tpu.memref_slice %arg9[%dma_start3A_1309] : memref<4x!tpu.dma_semaphore, #tpu.memory_space<semaphore_mem>> -> memref<1x!tpu.dma_semaphore, #tpu.memory_space<semaphore_mem>>
      %dma_start3A_1317 = tpu.memref_squeeze %dma_start3A_1316 : memref<1x!tpu.dma_semaphore, #tpu.memory_space<semaphore_mem>> -> memref<!tpu.dma_semaphore, #tpu.memory_space<semaphore_mem>>
      %dma_start3A_1318 = arith.constant 0 : i32
      %dma_start3A_1319 = tpu.memref_slice %arg4[%add3A_1307, %dma_start3A_1318] : memref<819200x128xf32, #tpu.memory_space<hbm>> -> memref<256x64xf32, #tpu.memory_space<hbm>>
      %dma_start3A_1320 = arith.constant 0 : i32
      %dma_start3A_1321 = arith.constant 0 : i32
      %dma_start3A_1322 = tpu.memref_slice %arg6[%dma_start3A_1308, %dma_start3A_1320, %dma_start3A_1321] : memref<4x256x64xf32, #tpu.memory_space<vmem>> -> memref<1x256x64xf32, #tpu.memory_space<vmem>>
      %dma_start3A_1323 = tpu.memref_squeeze %dma_start3A_1322 : memref<1x256x64xf32, #tpu.memory_space<vmem>> -> memref<256x64xf32, #tpu.memory_space<vmem>>
      tpu.enqueue_dma source(%dma_start3A_1323 : memref<256x64xf32, #tpu.memory_space<vmem>>) target(%dma_start3A_1319 : memref<256x64xf32, #tpu.memory_space<hbm>>) target_semaphore(%dma_start3A_1317 : memref<!tpu.dma_semaphore, #tpu.memory_space<semaphore_mem>>)
      %add3A_1324 = arith.constant 4 : i32
      %add3A_1325 = arith.addi %add3A_1198, %add3A_1324 : i32
      %jit3A_1326 = arith.constant 100 : i32
      %eq3A_1327 = arith.constant 0 : i32
      %eq3A_1328 = arith.cmpi eq, %jit3A_1326, %eq3A_1327 : i32
      %jit3A_1329 = arith.constant 1 : i32
      %select_n3A_1330 = arith.select %eq3A_1328, %jit3A_1329, %jit3A_1326 : i32
      %rem3A_1331 = arith.remsi %add3A_1325, %select_n3A_1330 : i32
      %ne3A_1332 = arith.constant 0 : i32
      %ne3A_1333 = arith.cmpi ne, %rem3A_1331, %ne3A_1332 : i32
      %lt3A_1334 = arith.constant 0 : i32
      %lt3A_1335 = arith.cmpi slt, %rem3A_1331, %lt3A_1334 : i32
      %lt3A_1336 = arith.constant 0 : i32
      %lt3A_1337 = arith.cmpi slt, %select_n3A_1330, %lt3A_1336 : i32
      %ne3A_1338 = arith.xori %lt3A_1335, %lt3A_1337 : i1
      %and3A_1339 = arith.andi %ne3A_1338, %ne3A_1333 : i1
      %add3A_1340 = arith.addi %rem3A_1331, %select_n3A_1330 : i32
      %select_n3A_1341 = arith.select %and3A_1339, %add3A_1340, %rem3A_1331 : i32
      %mul3A_1342 = arith.constant 2 : i32
      %mul3A_1343 = arith.muli %select_n3A_1341, %mul3A_1342 : i32
      %add3A_1344 = arith.addi %mul3A_2, %mul3A_1343 : i32
      %dma_start3A_1345 = arith.constant 1 : i32
      %dma_start3A_1346 = arith.constant 1 : i32
      %dma_start3A_1347 = arith.constant 0 : i32
      %dma_start3A_1348 = arith.constant 0 : i32
      %dma_start3A_1349 = tpu.memref_slice %arg5[%dma_start3A_1345, %dma_start3A_1347, %dma_start3A_1348] : memref<4x2x128xi32, #tpu.memory_space<vmem>> -> memref<1x2x128xi32, #tpu.memory_space<vmem>>
      %dma_start3A_1350 = tpu.memref_squeeze %dma_start3A_1349 : memref<1x2x128xi32, #tpu.memory_space<vmem>> -> memref<2x128xi32, #tpu.memory_space<vmem>>
      %dma_start3A_1351 = arith.constant 0 : i32
      %dma_start3A_1352 = tpu.memref_slice %arg3[%add3A_1344, %dma_start3A_1351] : memref<6400x128xi32, #tpu.memory_space<hbm>> -> memref<2x128xi32, #tpu.memory_space<hbm>>
      %dma_start3A_1353 = tpu.memref_slice %arg7[%dma_start3A_1346] : memref<4x!tpu.dma_semaphore, #tpu.memory_space<semaphore_mem>> -> memref<1x!tpu.dma_semaphore, #tpu.memory_space<semaphore_mem>>
      %dma_start3A_1354 = tpu.memref_squeeze %dma_start3A_1353 : memref<1x!tpu.dma_semaphore, #tpu.memory_space<semaphore_mem>> -> memref<!tpu.dma_semaphore, #tpu.memory_space<semaphore_mem>>
      %dma_start3A_1355 = arith.constant 0 : i32
      %dma_start3A_1356 = arith.constant 0 : i32
      %dma_start3A_1357 = tpu.memref_slice %arg5[%dma_start3A_1345, %dma_start3A_1355, %dma_start3A_1356] : memref<4x2x128xi32, #tpu.memory_space<vmem>> -> memref<1x2x128xi32, #tpu.memory_space<vmem>>
      %dma_start3A_1358 = tpu.memref_squeeze %dma_start3A_1357 : memref<1x2x128xi32, #tpu.memory_space<vmem>> -> memref<2x128xi32, #tpu.memory_space<vmem>>
      %dma_start3A_1359 = arith.constant 0 : i32
      %dma_start3A_1360 = tpu.memref_slice %arg3[%add3A_1344, %dma_start3A_1359] : memref<6400x128xi32, #tpu.memory_space<hbm>> -> memref<2x128xi32, #tpu.memory_space<hbm>>
      tpu.enqueue_dma source(%dma_start3A_1360 : memref<2x128xi32, #tpu.memory_space<hbm>>) target(%dma_start3A_1358 : memref<2x128xi32, #tpu.memory_space<vmem>>) target_semaphore(%dma_start3A_1354 : memref<!tpu.dma_semaphore, #tpu.memory_space<semaphore_mem>>)
    }
    %scan3A_415 = arith.constant 24 : i32
    %dma_wait3A_416 = arith.constant 2 : i32
    %dma_wait3A_417 = arith.constant 0 : i32
    %dma_wait3A_418 = arith.constant 2 : i32
    %dma_wait3A_419 = arith.constant 2 : i32
    %dma_wait3A_420 = arith.constant 0 : i32
    %dma_wait3A_421 = arith.constant 0 : i32
    %dma_wait3A_422 = tpu.memref_slice %arg6[%dma_wait3A_418, %dma_wait3A_420, %dma_wait3A_421] : memref<4x256x64xf32, #tpu.memory_space<vmem>> -> memref<1x128x64xf32, #tpu.memory_space<vmem>>
    %dma_wait3A_423 = tpu.memref_squeeze %dma_wait3A_422 : memref<1x128x64xf32, #tpu.memory_space<vmem>> -> memref<128x64xf32, #tpu.memory_space<vmem>>
    %dma_wait3A_424 = arith.constant 0 : i32
    %dma_wait3A_425 = tpu.memref_slice %arg5[%dma_wait3A_416, %dma_wait3A_417, %dma_wait3A_424] : memref<4x2x128xi32, #tpu.memory_space<vmem>> -> memref<1x1x128xi32, #tpu.memory_space<vmem>>
    %dma_wait3A_426 = tpu.memref_squeeze %dma_wait3A_425 : memref<1x1x128xi32, #tpu.memory_space<vmem>> -> memref<128xi32, #tpu.memory_space<vmem>>
    %dma_wait3A_427 = arith.constant 0 : i32
    %dma_wait3A_428 = arith.constant 0 : i32
    %dma_wait3A_429 = tpu.memref_slice %arg2[%dma_wait3A_427, %dma_wait3A_428] : memref<2000000x64xf32, #tpu.memory_space<hbm>> -> memref<2000000x64xf32, #tpu.memory_space<hbm>>
    %dma_wait3A_430 = tpu.memref_slice %arg8[%dma_wait3A_419] : memref<4x!tpu.dma_semaphore, #tpu.memory_space<semaphore_mem>> -> memref<1x!tpu.dma_semaphore, #tpu.memory_space<semaphore_mem>>
    %dma_wait3A_431 = tpu.memref_squeeze %dma_wait3A_430 : memref<1x!tpu.dma_semaphore, #tpu.memory_space<semaphore_mem>> -> memref<!tpu.dma_semaphore, #tpu.memory_space<semaphore_mem>>
    tpu.wait_indirect_dma semaphore(%dma_wait3A_431 : memref<!tpu.dma_semaphore, #tpu.memory_space<semaphore_mem>>) src(%dma_wait3A_429 : memref<2000000x64xf32, #tpu.memory_space<hbm>>) dst(%dma_wait3A_423 : memref<128x64xf32, #tpu.memory_space<vmem>>)
    %dma_wait3A_432 = arith.constant 2 : i32
    %dma_wait3A_433 = arith.constant 1 : i32
    %dma_wait3A_434 = arith.constant 2 : i32
    %dma_wait3A_435 = arith.constant 2 : i32
    %dma_wait3A_436 = arith.constant 128 : i32
    %dma_wait3A_437 = arith.constant 0 : i32
    %dma_wait3A_438 = tpu.memref_slice %arg6[%dma_wait3A_434, %dma_wait3A_436, %dma_wait3A_437] : memref<4x256x64xf32, #tpu.memory_space<vmem>> -> memref<1x128x64xf32, #tpu.memory_space<vmem>>
    %dma_wait3A_439 = tpu.memref_squeeze %dma_wait3A_438 : memref<1x128x64xf32, #tpu.memory_space<vmem>> -> memref<128x64xf32, #tpu.memory_space<vmem>>
    %dma_wait3A_440 = arith.constant 0 : i32
    %dma_wait3A_441 = tpu.memref_slice %arg5[%dma_wait3A_432, %dma_wait3A_433, %dma_wait3A_440] : memref<4x2x128xi32, #tpu.memory_space<vmem>> -> memref<1x1x128xi32, #tpu.memory_space<vmem>>
    %dma_wait3A_442 = tpu.memref_squeeze %dma_wait3A_441 : memref<1x1x128xi32, #tpu.memory_space<vmem>> -> memref<128xi32, #tpu.memory_space<vmem>>
    %dma_wait3A_443 = arith.constant 0 : i32
    %dma_wait3A_444 = arith.constant 0 : i32
    %dma_wait3A_445 = tpu.memref_slice %arg2[%dma_wait3A_443, %dma_wait3A_444] : memref<2000000x64xf32, #tpu.memory_space<hbm>> -> memref<2000000x64xf32, #tpu.memory_space<hbm>>
    %dma_wait3A_446 = tpu.memref_slice %arg8[%dma_wait3A_435] : memref<4x!tpu.dma_semaphore, #tpu.memory_space<semaphore_mem>> -> memref<1x!tpu.dma_semaphore, #tpu.memory_space<semaphore_mem>>
    %dma_wait3A_447 = tpu.memref_squeeze %dma_wait3A_446 : memref<1x!tpu.dma_semaphore, #tpu.memory_space<semaphore_mem>> -> memref<!tpu.dma_semaphore, #tpu.memory_space<semaphore_mem>>
    tpu.wait_indirect_dma semaphore(%dma_wait3A_447 : memref<!tpu.dma_semaphore, #tpu.memory_space<semaphore_mem>>) src(%dma_wait3A_445 : memref<2000000x64xf32, #tpu.memory_space<hbm>>) dst(%dma_wait3A_439 : memref<128x64xf32, #tpu.memory_space<vmem>>)
    %add3A_448 = arith.constant 25088 : i32
    %add3A_449 = arith.addi %mul3A_4, %add3A_448 : i32
    %dma_start3A_450 = arith.constant 2 : i32
    %dma_start3A_451 = arith.constant 2 : i32
    %dma_start3A_452 = arith.constant 0 : i32
    %dma_start3A_453 = arith.constant 0 : i32
    %dma_start3A_454 = tpu.memref_slice %arg6[%dma_start3A_450, %dma_start3A_452, %dma_start3A_453] : memref<4x256x64xf32, #tpu.memory_space<vmem>> -> memref<1x256x64xf32, #tpu.memory_space<vmem>>
    %dma_start3A_455 = tpu.memref_squeeze %dma_start3A_454 : memref<1x256x64xf32, #tpu.memory_space<vmem>> -> memref<256x64xf32, #tpu.memory_space<vmem>>
    %dma_start3A_456 = arith.constant 0 : i32
    %dma_start3A_457 = tpu.memref_slice %arg4[%add3A_449, %dma_start3A_456] : memref<819200x128xf32, #tpu.memory_space<hbm>> -> memref<256x64xf32, #tpu.memory_space<hbm>>
    %dma_start3A_458 = tpu.memref_slice %arg9[%dma_start3A_451] : memref<4x!tpu.dma_semaphore, #tpu.memory_space<semaphore_mem>> -> memref<1x!tpu.dma_semaphore, #tpu.memory_space<semaphore_mem>>
    %dma_start3A_459 = tpu.memref_squeeze %dma_start3A_458 : memref<1x!tpu.dma_semaphore, #tpu.memory_space<semaphore_mem>> -> memref<!tpu.dma_semaphore, #tpu.memory_space<semaphore_mem>>
    %dma_start3A_460 = arith.constant 0 : i32
    %dma_start3A_461 = tpu.memref_slice %arg4[%add3A_449, %dma_start3A_460] : memref<819200x128xf32, #tpu.memory_space<hbm>> -> memref<256x64xf32, #tpu.memory_space<hbm>>
    %dma_start3A_462 = arith.constant 0 : i32
    %dma_start3A_463 = arith.constant 0 : i32
    %dma_start3A_464 = tpu.memref_slice %arg6[%dma_start3A_450, %dma_start3A_462, %dma_start3A_463] : memref<4x256x64xf32, #tpu.memory_space<vmem>> -> memref<1x256x64xf32, #tpu.memory_space<vmem>>
    %dma_start3A_465 = tpu.memref_squeeze %dma_start3A_464 : memref<1x256x64xf32, #tpu.memory_space<vmem>> -> memref<256x64xf32, #tpu.memory_space<vmem>>
    tpu.enqueue_dma source(%dma_start3A_465 : memref<256x64xf32, #tpu.memory_space<vmem>>) target(%dma_start3A_461 : memref<256x64xf32, #tpu.memory_space<hbm>>) target_semaphore(%dma_start3A_459 : memref<!tpu.dma_semaphore, #tpu.memory_space<semaphore_mem>>)
    %add3A_466 = arith.constant 4 : i32
    %add3A_467 = arith.addi %mul3A_2, %add3A_466 : i32
    %dma_start3A_468 = arith.constant 2 : i32
    %dma_start3A_469 = arith.constant 2 : i32
    %dma_start3A_470 = arith.constant 0 : i32
    %dma_start3A_471 = arith.constant 0 : i32
    %dma_start3A_472 = tpu.memref_slice %arg5[%dma_start3A_468, %dma_start3A_470, %dma_start3A_471] : memref<4x2x128xi32, #tpu.memory_space<vmem>> -> memref<1x2x128xi32, #tpu.memory_space<vmem>>
    %dma_start3A_473 = tpu.memref_squeeze %dma_start3A_472 : memref<1x2x128xi32, #tpu.memory_space<vmem>> -> memref<2x128xi32, #tpu.memory_space<vmem>>
    %dma_start3A_474 = arith.constant 0 : i32
    %dma_start3A_475 = tpu.memref_slice %arg3[%add3A_467, %dma_start3A_474] : memref<6400x128xi32, #tpu.memory_space<hbm>> -> memref<2x128xi32, #tpu.memory_space<hbm>>
    %dma_start3A_476 = tpu.memref_slice %arg7[%dma_start3A_469] : memref<4x!tpu.dma_semaphore, #tpu.memory_space<semaphore_mem>> -> memref<1x!tpu.dma_semaphore, #tpu.memory_space<semaphore_mem>>
    %dma_start3A_477 = tpu.memref_squeeze %dma_start3A_476 : memref<1x!tpu.dma_semaphore, #tpu.memory_space<semaphore_mem>> -> memref<!tpu.dma_semaphore, #tpu.memory_space<semaphore_mem>>
    %dma_start3A_478 = arith.constant 0 : i32
    %dma_start3A_479 = arith.constant 0 : i32
    %dma_start3A_480 = tpu.memref_slice %arg5[%dma_start3A_468, %dma_start3A_478, %dma_start3A_479] : memref<4x2x128xi32, #tpu.memory_space<vmem>> -> memref<1x2x128xi32, #tpu.memory_space<vmem>>
    %dma_start3A_481 = tpu.memref_squeeze %dma_start3A_480 : memref<1x2x128xi32, #tpu.memory_space<vmem>> -> memref<2x128xi32, #tpu.memory_space<vmem>>
    %dma_start3A_482 = arith.constant 0 : i32
    %dma_start3A_483 = tpu.memref_slice %arg3[%add3A_467, %dma_start3A_482] : memref<6400x128xi32, #tpu.memory_space<hbm>> -> memref<2x128xi32, #tpu.memory_space<hbm>>
    tpu.enqueue_dma source(%dma_start3A_483 : memref<2x128xi32, #tpu.memory_space<hbm>>) target(%dma_start3A_481 : memref<2x128xi32, #tpu.memory_space<vmem>>) target_semaphore(%dma_start3A_477 : memref<!tpu.dma_semaphore, #tpu.memory_space<semaphore_mem>>)
    %dma_wait3A_484 = arith.constant 3 : i32
    %dma_wait3A_485 = arith.constant 0 : i32
    %dma_wait3A_486 = arith.constant 3 : i32
    %dma_wait3A_487 = arith.constant 3 : i32
    %dma_wait3A_488 = arith.constant 0 : i32
    %dma_wait3A_489 = arith.constant 0 : i32
    %dma_wait3A_490 = tpu.memref_slice %arg6[%dma_wait3A_486, %dma_wait3A_488, %dma_wait3A_489] : memref<4x256x64xf32, #tpu.memory_space<vmem>> -> memref<1x128x64xf32, #tpu.memory_space<vmem>>
    %dma_wait3A_491 = tpu.memref_squeeze %dma_wait3A_490 : memref<1x128x64xf32, #tpu.memory_space<vmem>> -> memref<128x64xf32, #tpu.memory_space<vmem>>
    %dma_wait3A_492 = arith.constant 0 : i32
    %dma_wait3A_493 = tpu.memref_slice %arg5[%dma_wait3A_484, %dma_wait3A_485, %dma_wait3A_492] : memref<4x2x128xi32, #tpu.memory_space<vmem>> -> memref<1x1x128xi32, #tpu.memory_space<vmem>>
    %dma_wait3A_494 = tpu.memref_squeeze %dma_wait3A_493 : memref<1x1x128xi32, #tpu.memory_space<vmem>> -> memref<128xi32, #tpu.memory_space<vmem>>
    %dma_wait3A_495 = arith.constant 0 : i32
    %dma_wait3A_496 = arith.constant 0 : i32
    %dma_wait3A_497 = tpu.memref_slice %arg2[%dma_wait3A_495, %dma_wait3A_496] : memref<2000000x64xf32, #tpu.memory_space<hbm>> -> memref<2000000x64xf32, #tpu.memory_space<hbm>>
    %dma_wait3A_498 = tpu.memref_slice %arg8[%dma_wait3A_487] : memref<4x!tpu.dma_semaphore, #tpu.memory_space<semaphore_mem>> -> memref<1x!tpu.dma_semaphore, #tpu.memory_space<semaphore_mem>>
    %dma_wait3A_499 = tpu.memref_squeeze %dma_wait3A_498 : memref<1x!tpu.dma_semaphore, #tpu.memory_space<semaphore_mem>> -> memref<!tpu.dma_semaphore, #tpu.memory_space<semaphore_mem>>
    tpu.wait_indirect_dma semaphore(%dma_wait3A_499 : memref<!tpu.dma_semaphore, #tpu.memory_space<semaphore_mem>>) src(%dma_wait3A_497 : memref<2000000x64xf32, #tpu.memory_space<hbm>>) dst(%dma_wait3A_491 : memref<128x64xf32, #tpu.memory_space<vmem>>)
    %dma_wait3A_500 = arith.constant 3 : i32
    %dma_wait3A_501 = arith.constant 1 : i32
    %dma_wait3A_502 = arith.constant 3 : i32
    %dma_wait3A_503 = arith.constant 3 : i32
    %dma_wait3A_504 = arith.constant 128 : i32
    %dma_wait3A_505 = arith.constant 0 : i32
    %dma_wait3A_506 = tpu.memref_slice %arg6[%dma_wait3A_502, %dma_wait3A_504, %dma_wait3A_505] : memref<4x256x64xf32, #tpu.memory_space<vmem>> -> memref<1x128x64xf32, #tpu.memory_space<vmem>>
    %dma_wait3A_507 = tpu.memref_squeeze %dma_wait3A_506 : memref<1x128x64xf32, #tpu.memory_space<vmem>> -> memref<128x64xf32, #tpu.memory_space<vmem>>
    %dma_wait3A_508 = arith.constant 0 : i32
    %dma_wait3A_509 = tpu.memref_slice %arg5[%dma_wait3A_500, %dma_wait3A_501, %dma_wait3A_508] : memref<4x2x128xi32, #tpu.memory_space<vmem>> -> memref<1x1x128xi32, #tpu.memory_space<vmem>>
    %dma_wait3A_510 = tpu.memref_squeeze %dma_wait3A_509 : memref<1x1x128xi32, #tpu.memory_space<vmem>> -> memref<128xi32, #tpu.memory_space<vmem>>
    %dma_wait3A_511 = arith.constant 0 : i32
    %dma_wait3A_512 = arith.constant 0 : i32
    %dma_wait3A_513 = tpu.memref_slice %arg2[%dma_wait3A_511, %dma_wait3A_512] : memref<2000000x64xf32, #tpu.memory_space<hbm>> -> memref<2000000x64xf32, #tpu.memory_space<hbm>>
    %dma_wait3A_514 = tpu.memref_slice %arg8[%dma_wait3A_503] : memref<4x!tpu.dma_semaphore, #tpu.memory_space<semaphore_mem>> -> memref<1x!tpu.dma_semaphore, #tpu.memory_space<semaphore_mem>>
    %dma_wait3A_515 = tpu.memref_squeeze %dma_wait3A_514 : memref<1x!tpu.dma_semaphore, #tpu.memory_space<semaphore_mem>> -> memref<!tpu.dma_semaphore, #tpu.memory_space<semaphore_mem>>
    tpu.wait_indirect_dma semaphore(%dma_wait3A_515 : memref<!tpu.dma_semaphore, #tpu.memory_space<semaphore_mem>>) src(%dma_wait3A_513 : memref<2000000x64xf32, #tpu.memory_space<hbm>>) dst(%dma_wait3A_507 : memref<128x64xf32, #tpu.memory_space<vmem>>)
    %add3A_516 = arith.constant 25344 : i32
    %add3A_517 = arith.addi %mul3A_4, %add3A_516 : i32
    %dma_start3A_518 = arith.constant 3 : i32
    %dma_start3A_519 = arith.constant 3 : i32
    %dma_start3A_520 = arith.constant 0 : i32
    %dma_start3A_521 = arith.constant 0 : i32
    %dma_start3A_522 = tpu.memref_slice %arg6[%dma_start3A_518, %dma_start3A_520, %dma_start3A_521] : memref<4x256x64xf32, #tpu.memory_space<vmem>> -> memref<1x256x64xf32, #tpu.memory_space<vmem>>
    %dma_start3A_523 = tpu.memref_squeeze %dma_start3A_522 : memref<1x256x64xf32, #tpu.memory_space<vmem>> -> memref<256x64xf32, #tpu.memory_space<vmem>>
    %dma_start3A_524 = arith.constant 0 : i32
    %dma_start3A_525 = tpu.memref_slice %arg4[%add3A_517, %dma_start3A_524] : memref<819200x128xf32, #tpu.memory_space<hbm>> -> memref<256x64xf32, #tpu.memory_space<hbm>>
    %dma_start3A_526 = tpu.memref_slice %arg9[%dma_start3A_519] : memref<4x!tpu.dma_semaphore, #tpu.memory_space<semaphore_mem>> -> memref<1x!tpu.dma_semaphore, #tpu.memory_space<semaphore_mem>>
    %dma_start3A_527 = tpu.memref_squeeze %dma_start3A_526 : memref<1x!tpu.dma_semaphore, #tpu.memory_space<semaphore_mem>> -> memref<!tpu.dma_semaphore, #tpu.memory_space<semaphore_mem>>
    %dma_start3A_528 = arith.constant 0 : i32
    %dma_start3A_529 = tpu.memref_slice %arg4[%add3A_517, %dma_start3A_528] : memref<819200x128xf32, #tpu.memory_space<hbm>> -> memref<256x64xf32, #tpu.memory_space<hbm>>
    %dma_start3A_530 = arith.constant 0 : i32
    %dma_start3A_531 = arith.constant 0 : i32
    %dma_start3A_532 = tpu.memref_slice %arg6[%dma_start3A_518, %dma_start3A_530, %dma_start3A_531] : memref<4x256x64xf32, #tpu.memory_space<vmem>> -> memref<1x256x64xf32, #tpu.memory_space<vmem>>
    %dma_start3A_533 = tpu.memref_squeeze %dma_start3A_532 : memref<1x256x64xf32, #tpu.memory_space<vmem>> -> memref<256x64xf32, #tpu.memory_space<vmem>>
    tpu.enqueue_dma source(%dma_start3A_533 : memref<256x64xf32, #tpu.memory_space<vmem>>) target(%dma_start3A_529 : memref<256x64xf32, #tpu.memory_space<hbm>>) target_semaphore(%dma_start3A_527 : memref<!tpu.dma_semaphore, #tpu.memory_space<semaphore_mem>>)
    %add3A_534 = arith.constant 6 : i32
    %add3A_535 = arith.addi %mul3A_2, %add3A_534 : i32
    %dma_start3A_536 = arith.constant 3 : i32
    %dma_start3A_537 = arith.constant 3 : i32
    %dma_start3A_538 = arith.constant 0 : i32
    %dma_start3A_539 = arith.constant 0 : i32
    %dma_start3A_540 = tpu.memref_slice %arg5[%dma_start3A_536, %dma_start3A_538, %dma_start3A_539] : memref<4x2x128xi32, #tpu.memory_space<vmem>> -> memref<1x2x128xi32, #tpu.memory_space<vmem>>
    %dma_start3A_541 = tpu.memref_squeeze %dma_start3A_540 : memref<1x2x128xi32, #tpu.memory_space<vmem>> -> memref<2x128xi32, #tpu.memory_space<vmem>>
    %dma_start3A_542 = arith.constant 0 : i32
    %dma_start3A_543 = tpu.memref_slice %arg3[%add3A_535, %dma_start3A_542] : memref<6400x128xi32, #tpu.memory_space<hbm>> -> memref<2x128xi32, #tpu.memory_space<hbm>>
    %dma_start3A_544 = tpu.memref_slice %arg7[%dma_start3A_537] : memref<4x!tpu.dma_semaphore, #tpu.memory_space<semaphore_mem>> -> memref<1x!tpu.dma_semaphore, #tpu.memory_space<semaphore_mem>>
    %dma_start3A_545 = tpu.memref_squeeze %dma_start3A_544 : memref<1x!tpu.dma_semaphore, #tpu.memory_space<semaphore_mem>> -> memref<!tpu.dma_semaphore, #tpu.memory_space<semaphore_mem>>
    %dma_start3A_546 = arith.constant 0 : i32
    %dma_start3A_547 = arith.constant 0 : i32
    %dma_start3A_548 = tpu.memref_slice %arg5[%dma_start3A_536, %dma_start3A_546, %dma_start3A_547] : memref<4x2x128xi32, #tpu.memory_space<vmem>> -> memref<1x2x128xi32, #tpu.memory_space<vmem>>
    %dma_start3A_549 = tpu.memref_squeeze %dma_start3A_548 : memref<1x2x128xi32, #tpu.memory_space<vmem>> -> memref<2x128xi32, #tpu.memory_space<vmem>>
    %dma_start3A_550 = arith.constant 0 : i32
    %dma_start3A_551 = tpu.memref_slice %arg3[%add3A_535, %dma_start3A_550] : memref<6400x128xi32, #tpu.memory_space<hbm>> -> memref<2x128xi32, #tpu.memory_space<hbm>>
    tpu.enqueue_dma source(%dma_start3A_551 : memref<2x128xi32, #tpu.memory_space<hbm>>) target(%dma_start3A_549 : memref<2x128xi32, #tpu.memory_space<vmem>>) target_semaphore(%dma_start3A_545 : memref<!tpu.dma_semaphore, #tpu.memory_space<semaphore_mem>>)
    %add3A_552 = arith.constant 24576 : i32
    %add3A_553 = arith.addi %mul3A_4, %add3A_552 : i32
    %dma_wait3A_554 = arith.constant 0 : i32
    %dma_wait3A_555 = arith.constant 0 : i32
    %dma_wait3A_556 = arith.constant 0 : i32
    %dma_wait3A_557 = arith.constant 0 : i32
    %dma_wait3A_558 = tpu.memref_slice %arg6[%dma_wait3A_554, %dma_wait3A_556, %dma_wait3A_557] : memref<4x256x64xf32, #tpu.memory_space<vmem>> -> memref<1x256x64xf32, #tpu.memory_space<vmem>>
    %dma_wait3A_559 = tpu.memref_squeeze %dma_wait3A_558 : memref<1x256x64xf32, #tpu.memory_space<vmem>> -> memref<256x64xf32, #tpu.memory_space<vmem>>
    %dma_wait3A_560 = arith.constant 0 : i32
    %dma_wait3A_561 = tpu.memref_slice %arg4[%add3A_553, %dma_wait3A_560] : memref<819200x128xf32, #tpu.memory_space<hbm>> -> memref<256x64xf32, #tpu.memory_space<hbm>>
    %dma_wait3A_562 = tpu.memref_slice %arg9[%dma_wait3A_555] : memref<4x!tpu.dma_semaphore, #tpu.memory_space<semaphore_mem>> -> memref<1x!tpu.dma_semaphore, #tpu.memory_space<semaphore_mem>>
    %dma_wait3A_563 = tpu.memref_squeeze %dma_wait3A_562 : memref<1x!tpu.dma_semaphore, #tpu.memory_space<semaphore_mem>> -> memref<!tpu.dma_semaphore, #tpu.memory_space<semaphore_mem>>
    %dma_wait3A_564 = arith.constant 0 : i32
    %dma_wait3A_565 = tpu.memref_slice %arg4[%add3A_553, %dma_wait3A_564] : memref<819200x128xf32, #tpu.memory_space<hbm>> -> memref<256x64xf32, #tpu.memory_space<hbm>>
    %dma_wait3A_566 = arith.constant 0 : i32
    %dma_wait3A_567 = arith.constant 0 : i32
    %dma_wait3A_568 = tpu.memref_slice %arg6[%dma_wait3A_554, %dma_wait3A_566, %dma_wait3A_567] : memref<4x256x64xf32, #tpu.memory_space<vmem>> -> memref<1x256x64xf32, #tpu.memory_space<vmem>>
    %dma_wait3A_569 = tpu.memref_squeeze %dma_wait3A_568 : memref<1x256x64xf32, #tpu.memory_space<vmem>> -> memref<256x64xf32, #tpu.memory_space<vmem>>
    tpu.wait_dma2 semaphore(%dma_wait3A_563 : memref<!tpu.dma_semaphore, #tpu.memory_space<semaphore_mem>>) src(%dma_wait3A_569 : memref<256x64xf32, #tpu.memory_space<vmem>>) dst(%dma_wait3A_565 : memref<256x64xf32, #tpu.memory_space<hbm>>)
    %add3A_570 = arith.constant 0 : i32
    %add3A_571 = arith.addi %mul3A_2, %add3A_570 : i32
    %dma_wait3A_572 = arith.constant 0 : i32
    %dma_wait3A_573 = arith.constant 0 : i32
    %dma_wait3A_574 = arith.constant 0 : i32
    %dma_wait3A_575 = arith.constant 0 : i32
    %dma_wait3A_576 = tpu.memref_slice %arg5[%dma_wait3A_572, %dma_wait3A_574, %dma_wait3A_575] : memref<4x2x128xi32, #tpu.memory_space<vmem>> -> memref<1x2x128xi32, #tpu.memory_space<vmem>>
    %dma_wait3A_577 = tpu.memref_squeeze %dma_wait3A_576 : memref<1x2x128xi32, #tpu.memory_space<vmem>> -> memref<2x128xi32, #tpu.memory_space<vmem>>
    %dma_wait3A_578 = arith.constant 0 : i32
    %dma_wait3A_579 = tpu.memref_slice %arg3[%add3A_571, %dma_wait3A_578] : memref<6400x128xi32, #tpu.memory_space<hbm>> -> memref<2x128xi32, #tpu.memory_space<hbm>>
    %dma_wait3A_580 = tpu.memref_slice %arg7[%dma_wait3A_573] : memref<4x!tpu.dma_semaphore, #tpu.memory_space<semaphore_mem>> -> memref<1x!tpu.dma_semaphore, #tpu.memory_space<semaphore_mem>>
    %dma_wait3A_581 = tpu.memref_squeeze %dma_wait3A_580 : memref<1x!tpu.dma_semaphore, #tpu.memory_space<semaphore_mem>> -> memref<!tpu.dma_semaphore, #tpu.memory_space<semaphore_mem>>
    %dma_wait3A_582 = arith.constant 0 : i32
    %dma_wait3A_583 = arith.constant 0 : i32
    %dma_wait3A_584 = tpu.memref_slice %arg5[%dma_wait3A_572, %dma_wait3A_582, %dma_wait3A_583] : memref<4x2x128xi32, #tpu.memory_space<vmem>> -> memref<1x2x128xi32, #tpu.memory_space<vmem>>
    %dma_wait3A_585 = tpu.memref_squeeze %dma_wait3A_584 : memref<1x2x128xi32, #tpu.memory_space<vmem>> -> memref<2x128xi32, #tpu.memory_space<vmem>>
    %dma_wait3A_586 = arith.constant 0 : i32
    %dma_wait3A_587 = tpu.memref_slice %arg3[%add3A_571, %dma_wait3A_586] : memref<6400x128xi32, #tpu.memory_space<hbm>> -> memref<2x128xi32, #tpu.memory_space<hbm>>
    tpu.wait_dma2 semaphore(%dma_wait3A_581 : memref<!tpu.dma_semaphore, #tpu.memory_space<semaphore_mem>>) src(%dma_wait3A_587 : memref<2x128xi32, #tpu.memory_space<hbm>>) dst(%dma_wait3A_585 : memref<2x128xi32, #tpu.memory_space<vmem>>)
    %add3A_588 = arith.constant 24832 : i32
    %add3A_589 = arith.addi %mul3A_4, %add3A_588 : i32
    %dma_wait3A_590 = arith.constant 1 : i32
    %dma_wait3A_591 = arith.constant 1 : i32
    %dma_wait3A_592 = arith.constant 0 : i32
    %dma_wait3A_593 = arith.constant 0 : i32
    %dma_wait3A_594 = tpu.memref_slice %arg6[%dma_wait3A_590, %dma_wait3A_592, %dma_wait3A_593] : memref<4x256x64xf32, #tpu.memory_space<vmem>> -> memref<1x256x64xf32, #tpu.memory_space<vmem>>
    %dma_wait3A_595 = tpu.memref_squeeze %dma_wait3A_594 : memref<1x256x64xf32, #tpu.memory_space<vmem>> -> memref<256x64xf32, #tpu.memory_space<vmem>>
    %dma_wait3A_596 = arith.constant 0 : i32
    %dma_wait3A_597 = tpu.memref_slice %arg4[%add3A_589, %dma_wait3A_596] : memref<819200x128xf32, #tpu.memory_space<hbm>> -> memref<256x64xf32, #tpu.memory_space<hbm>>
    %dma_wait3A_598 = tpu.memref_slice %arg9[%dma_wait3A_591] : memref<4x!tpu.dma_semaphore, #tpu.memory_space<semaphore_mem>> -> memref<1x!tpu.dma_semaphore, #tpu.memory_space<semaphore_mem>>
    %dma_wait3A_599 = tpu.memref_squeeze %dma_wait3A_598 : memref<1x!tpu.dma_semaphore, #tpu.memory_space<semaphore_mem>> -> memref<!tpu.dma_semaphore, #tpu.memory_space<semaphore_mem>>
    %dma_wait3A_600 = arith.constant 0 : i32
    %dma_wait3A_601 = tpu.memref_slice %arg4[%add3A_589, %dma_wait3A_600] : memref<819200x128xf32, #tpu.memory_space<hbm>> -> memref<256x64xf32, #tpu.memory_space<hbm>>
    %dma_wait3A_602 = arith.constant 0 : i32
    %dma_wait3A_603 = arith.constant 0 : i32
    %dma_wait3A_604 = tpu.memref_slice %arg6[%dma_wait3A_590, %dma_wait3A_602, %dma_wait3A_603] : memref<4x256x64xf32, #tpu.memory_space<vmem>> -> memref<1x256x64xf32, #tpu.memory_space<vmem>>
    %dma_wait3A_605 = tpu.memref_squeeze %dma_wait3A_604 : memref<1x256x64xf32, #tpu.memory_space<vmem>> -> memref<256x64xf32, #tpu.memory_space<vmem>>
    tpu.wait_dma2 semaphore(%dma_wait3A_599 : memref<!tpu.dma_semaphore, #tpu.memory_space<semaphore_mem>>) src(%dma_wait3A_605 : memref<256x64xf32, #tpu.memory_space<vmem>>) dst(%dma_wait3A_601 : memref<256x64xf32, #tpu.memory_space<hbm>>)
    %add3A_606 = arith.constant 2 : i32
    %add3A_607 = arith.addi %mul3A_2, %add3A_606 : i32
    %dma_wait3A_608 = arith.constant 1 : i32
    %dma_wait3A_609 = arith.constant 1 : i32
    %dma_wait3A_610 = arith.constant 0 : i32
    %dma_wait3A_611 = arith.constant 0 : i32
    %dma_wait3A_612 = tpu.memref_slice %arg5[%dma_wait3A_608, %dma_wait3A_610, %dma_wait3A_611] : memref<4x2x128xi32, #tpu.memory_space<vmem>> -> memref<1x2x128xi32, #tpu.memory_space<vmem>>
    %dma_wait3A_613 = tpu.memref_squeeze %dma_wait3A_612 : memref<1x2x128xi32, #tpu.memory_space<vmem>> -> memref<2x128xi32, #tpu.memory_space<vmem>>
    %dma_wait3A_614 = arith.constant 0 : i32
    %dma_wait3A_615 = tpu.memref_slice %arg3[%add3A_607, %dma_wait3A_614] : memref<6400x128xi32, #tpu.memory_space<hbm>> -> memref<2x128xi32, #tpu.memory_space<hbm>>
    %dma_wait3A_616 = tpu.memref_slice %arg7[%dma_wait3A_609] : memref<4x!tpu.dma_semaphore, #tpu.memory_space<semaphore_mem>> -> memref<1x!tpu.dma_semaphore, #tpu.memory_space<semaphore_mem>>
    %dma_wait3A_617 = tpu.memref_squeeze %dma_wait3A_616 : memref<1x!tpu.dma_semaphore, #tpu.memory_space<semaphore_mem>> -> memref<!tpu.dma_semaphore, #tpu.memory_space<semaphore_mem>>
    %dma_wait3A_618 = arith.constant 0 : i32
    %dma_wait3A_619 = arith.constant 0 : i32
    %dma_wait3A_620 = tpu.memref_slice %arg5[%dma_wait3A_608, %dma_wait3A_618, %dma_wait3A_619] : memref<4x2x128xi32, #tpu.memory_space<vmem>> -> memref<1x2x128xi32, #tpu.memory_space<vmem>>
    %dma_wait3A_621 = tpu.memref_squeeze %dma_wait3A_620 : memref<1x2x128xi32, #tpu.memory_space<vmem>> -> memref<2x128xi32, #tpu.memory_space<vmem>>
    %dma_wait3A_622 = arith.constant 0 : i32
    %dma_wait3A_623 = tpu.memref_slice %arg3[%add3A_607, %dma_wait3A_622] : memref<6400x128xi32, #tpu.memory_space<hbm>> -> memref<2x128xi32, #tpu.memory_space<hbm>>
    tpu.wait_dma2 semaphore(%dma_wait3A_617 : memref<!tpu.dma_semaphore, #tpu.memory_space<semaphore_mem>>) src(%dma_wait3A_623 : memref<2x128xi32, #tpu.memory_space<hbm>>) dst(%dma_wait3A_621 : memref<2x128xi32, #tpu.memory_space<vmem>>)
    %add3A_624 = arith.constant 25088 : i32
    %add3A_625 = arith.addi %mul3A_4, %add3A_624 : i32
    %dma_wait3A_626 = arith.constant 2 : i32
    %dma_wait3A_627 = arith.constant 2 : i32
    %dma_wait3A_628 = arith.constant 0 : i32
    %dma_wait3A_629 = arith.constant 0 : i32
    %dma_wait3A_630 = tpu.memref_slice %arg6[%dma_wait3A_626, %dma_wait3A_628, %dma_wait3A_629] : memref<4x256x64xf32, #tpu.memory_space<vmem>> -> memref<1x256x64xf32, #tpu.memory_space<vmem>>
    %dma_wait3A_631 = tpu.memref_squeeze %dma_wait3A_630 : memref<1x256x64xf32, #tpu.memory_space<vmem>> -> memref<256x64xf32, #tpu.memory_space<vmem>>
    %dma_wait3A_632 = arith.constant 0 : i32
    %dma_wait3A_633 = tpu.memref_slice %arg4[%add3A_625, %dma_wait3A_632] : memref<819200x128xf32, #tpu.memory_space<hbm>> -> memref<256x64xf32, #tpu.memory_space<hbm>>
    %dma_wait3A_634 = tpu.memref_slice %arg9[%dma_wait3A_627] : memref<4x!tpu.dma_semaphore, #tpu.memory_space<semaphore_mem>> -> memref<1x!tpu.dma_semaphore, #tpu.memory_space<semaphore_mem>>
    %dma_wait3A_635 = tpu.memref_squeeze %dma_wait3A_634 : memref<1x!tpu.dma_semaphore, #tpu.memory_space<semaphore_mem>> -> memref<!tpu.dma_semaphore, #tpu.memory_space<semaphore_mem>>
    %dma_wait3A_636 = arith.constant 0 : i32
    %dma_wait3A_637 = tpu.memref_slice %arg4[%add3A_625, %dma_wait3A_636] : memref<819200x128xf32, #tpu.memory_space<hbm>> -> memref<256x64xf32, #tpu.memory_space<hbm>>
    %dma_wait3A_638 = arith.constant 0 : i32
    %dma_wait3A_639 = arith.constant 0 : i32
    %dma_wait3A_640 = tpu.memref_slice %arg6[%dma_wait3A_626, %dma_wait3A_638, %dma_wait3A_639] : memref<4x256x64xf32, #tpu.memory_space<vmem>> -> memref<1x256x64xf32, #tpu.memory_space<vmem>>
    %dma_wait3A_641 = tpu.memref_squeeze %dma_wait3A_640 : memref<1x256x64xf32, #tpu.memory_space<vmem>> -> memref<256x64xf32, #tpu.memory_space<vmem>>
    tpu.wait_dma2 semaphore(%dma_wait3A_635 : memref<!tpu.dma_semaphore, #tpu.memory_space<semaphore_mem>>) src(%dma_wait3A_641 : memref<256x64xf32, #tpu.memory_space<vmem>>) dst(%dma_wait3A_637 : memref<256x64xf32, #tpu.memory_space<hbm>>)
    %add3A_642 = arith.constant 4 : i32
    %add3A_643 = arith.addi %mul3A_2, %add3A_642 : i32
    %dma_wait3A_644 = arith.constant 2 : i32
    %dma_wait3A_645 = arith.constant 2 : i32
    %dma_wait3A_646 = arith.constant 0 : i32
    %dma_wait3A_647 = arith.constant 0 : i32
    %dma_wait3A_648 = tpu.memref_slice %arg5[%dma_wait3A_644, %dma_wait3A_646, %dma_wait3A_647] : memref<4x2x128xi32, #tpu.memory_space<vmem>> -> memref<1x2x128xi32, #tpu.memory_space<vmem>>
    %dma_wait3A_649 = tpu.memref_squeeze %dma_wait3A_648 : memref<1x2x128xi32, #tpu.memory_space<vmem>> -> memref<2x128xi32, #tpu.memory_space<vmem>>
    %dma_wait3A_650 = arith.constant 0 : i32
    %dma_wait3A_651 = tpu.memref_slice %arg3[%add3A_643, %dma_wait3A_650] : memref<6400x128xi32, #tpu.memory_space<hbm>> -> memref<2x128xi32, #tpu.memory_space<hbm>>
    %dma_wait3A_652 = tpu.memref_slice %arg7[%dma_wait3A_645] : memref<4x!tpu.dma_semaphore, #tpu.memory_space<semaphore_mem>> -> memref<1x!tpu.dma_semaphore, #tpu.memory_space<semaphore_mem>>
    %dma_wait3A_653 = tpu.memref_squeeze %dma_wait3A_652 : memref<1x!tpu.dma_semaphore, #tpu.memory_space<semaphore_mem>> -> memref<!tpu.dma_semaphore, #tpu.memory_space<semaphore_mem>>
    %dma_wait3A_654 = arith.constant 0 : i32
    %dma_wait3A_655 = arith.constant 0 : i32
    %dma_wait3A_656 = tpu.memref_slice %arg5[%dma_wait3A_644, %dma_wait3A_654, %dma_wait3A_655] : memref<4x2x128xi32, #tpu.memory_space<vmem>> -> memref<1x2x128xi32, #tpu.memory_space<vmem>>
    %dma_wait3A_657 = tpu.memref_squeeze %dma_wait3A_656 : memref<1x2x128xi32, #tpu.memory_space<vmem>> -> memref<2x128xi32, #tpu.memory_space<vmem>>
    %dma_wait3A_658 = arith.constant 0 : i32
    %dma_wait3A_659 = tpu.memref_slice %arg3[%add3A_643, %dma_wait3A_658] : memref<6400x128xi32, #tpu.memory_space<hbm>> -> memref<2x128xi32, #tpu.memory_space<hbm>>
    tpu.wait_dma2 semaphore(%dma_wait3A_653 : memref<!tpu.dma_semaphore, #tpu.memory_space<semaphore_mem>>) src(%dma_wait3A_659 : memref<2x128xi32, #tpu.memory_space<hbm>>) dst(%dma_wait3A_657 : memref<2x128xi32, #tpu.memory_space<vmem>>)
    %add3A_660 = arith.constant 25344 : i32
    %add3A_661 = arith.addi %mul3A_4, %add3A_660 : i32
    %dma_wait3A_662 = arith.constant 3 : i32
    %dma_wait3A_663 = arith.constant 3 : i32
    %dma_wait3A_664 = arith.constant 0 : i32
    %dma_wait3A_665 = arith.constant 0 : i32
    %dma_wait3A_666 = tpu.memref_slice %arg6[%dma_wait3A_662, %dma_wait3A_664, %dma_wait3A_665] : memref<4x256x64xf32, #tpu.memory_space<vmem>> -> memref<1x256x64xf32, #tpu.memory_space<vmem>>
    %dma_wait3A_667 = tpu.memref_squeeze %dma_wait3A_666 : memref<1x256x64xf32, #tpu.memory_space<vmem>> -> memref<256x64xf32, #tpu.memory_space<vmem>>
    %dma_wait3A_668 = arith.constant 0 : i32
    %dma_wait3A_669 = tpu.memref_slice %arg4[%add3A_661, %dma_wait3A_668] : memref<819200x128xf32, #tpu.memory_space<hbm>> -> memref<256x64xf32, #tpu.memory_space<hbm>>
    %dma_wait3A_670 = tpu.memref_slice %arg9[%dma_wait3A_663] : memref<4x!tpu.dma_semaphore, #tpu.memory_space<semaphore_mem>> -> memref<1x!tpu.dma_semaphore, #tpu.memory_space<semaphore_mem>>
    %dma_wait3A_671 = tpu.memref_squeeze %dma_wait3A_670 : memref<1x!tpu.dma_semaphore, #tpu.memory_space<semaphore_mem>> -> memref<!tpu.dma_semaphore, #tpu.memory_space<semaphore_mem>>
    %dma_wait3A_672 = arith.constant 0 : i32
    %dma_wait3A_673 = tpu.memref_slice %arg4[%add3A_661, %dma_wait3A_672] : memref<819200x128xf32, #tpu.memory_space<hbm>> -> memref<256x64xf32, #tpu.memory_space<hbm>>
    %dma_wait3A_674 = arith.constant 0 : i32
    %dma_wait3A_675 = arith.constant 0 : i32
    %dma_wait3A_676 = tpu.memref_slice %arg6[%dma_wait3A_662, %dma_wait3A_674, %dma_wait3A_675] : memref<4x256x64xf32, #tpu.memory_space<vmem>> -> memref<1x256x64xf32, #tpu.memory_space<vmem>>
    %dma_wait3A_677 = tpu.memref_squeeze %dma_wait3A_676 : memref<1x256x64xf32, #tpu.memory_space<vmem>> -> memref<256x64xf32, #tpu.memory_space<vmem>>
    tpu.wait_dma2 semaphore(%dma_wait3A_671 : memref<!tpu.dma_semaphore, #tpu.memory_space<semaphore_mem>>) src(%dma_wait3A_677 : memref<256x64xf32, #tpu.memory_space<vmem>>) dst(%dma_wait3A_673 : memref<256x64xf32, #tpu.memory_space<hbm>>)
    %add3A_678 = arith.constant 6 : i32
    %add3A_679 = arith.addi %mul3A_2, %add3A_678 : i32
    %dma_wait3A_680 = arith.constant 3 : i32
    %dma_wait3A_681 = arith.constant 3 : i32
    %dma_wait3A_682 = arith.constant 0 : i32
    %dma_wait3A_683 = arith.constant 0 : i32
    %dma_wait3A_684 = tpu.memref_slice %arg5[%dma_wait3A_680, %dma_wait3A_682, %dma_wait3A_683] : memref<4x2x128xi32, #tpu.memory_space<vmem>> -> memref<1x2x128xi32, #tpu.memory_space<vmem>>
    %dma_wait3A_685 = tpu.memref_squeeze %dma_wait3A_684 : memref<1x2x128xi32, #tpu.memory_space<vmem>> -> memref<2x128xi32, #tpu.memory_space<vmem>>
    %dma_wait3A_686 = arith.constant 0 : i32
    %dma_wait3A_687 = tpu.memref_slice %arg3[%add3A_679, %dma_wait3A_686] : memref<6400x128xi32, #tpu.memory_space<hbm>> -> memref<2x128xi32, #tpu.memory_space<hbm>>
    %dma_wait3A_688 = tpu.memref_slice %arg7[%dma_wait3A_681] : memref<4x!tpu.dma_semaphore, #tpu.memory_space<semaphore_mem>> -> memref<1x!tpu.dma_semaphore, #tpu.memory_space<semaphore_mem>>
    %dma_wait3A_689 = tpu.memref_squeeze %dma_wait3A_688 : memref<1x!tpu.dma_semaphore, #tpu.memory_space<semaphore_mem>> -> memref<!tpu.dma_semaphore, #tpu.memory_space<semaphore_mem>>
    %dma_wait3A_690 = arith.constant 0 : i32
    %dma_wait3A_691 = arith.constant 0 : i32
    %dma_wait3A_692 = tpu.memref_slice %arg5[%dma_wait3A_680, %dma_wait3A_690, %dma_wait3A_691] : memref<4x2x128xi32, #tpu.memory_space<vmem>> -> memref<1x2x128xi32, #tpu.memory_space<vmem>>
    %dma_wait3A_693 = tpu.memref_squeeze %dma_wait3A_692 : memref<1x2x128xi32, #tpu.memory_space<vmem>> -> memref<2x128xi32, #tpu.memory_space<vmem>>
    %dma_wait3A_694 = arith.constant 0 : i32
    %dma_wait3A_695 = tpu.memref_slice %arg3[%add3A_679, %dma_wait3A_694] : memref<6400x128xi32, #tpu.memory_space<hbm>> -> memref<2x128xi32, #tpu.memory_space<hbm>>
    tpu.wait_dma2 semaphore(%dma_wait3A_689 : memref<!tpu.dma_semaphore, #tpu.memory_space<semaphore_mem>>) src(%dma_wait3A_695 : memref<2x128xi32, #tpu.memory_space<hbm>>) dst(%dma_wait3A_693 : memref<2x128xi32, #tpu.memory_space<vmem>>)
    return
  }
}

</mosaic_0001>

<sc_bundles>
// kernel: _gather.3.cloned.1.call-start
scs
__scs_entry_jumppad:
0x0: {  	(pc) =	sbr.rel $0x88, $3  }
0x1: {  	(tag) =	ssettag $0x0;
	lr =	simm.s32 $0x1  }
0x2: {  	[smem:$0x3F9F] =	sst lr;
	_ =	strace $0xD0000000  }
0x3: {  	_ = 	snop  }
0x4: {  	_ = 	snop  }
0x5: {  	_ = 	snop  }
0x6: {  	_ = 	snop  }
0x7: {  	_ = 	snop  }
__scs_overlays_trampoline_lowered:
0x8: {  	[smem:$0x3FAE] =	sst s0  }
0x9: {  	[smem:$0x3FAF] =	sst s1  }
0xa: {  	[smem:$0x3FB0] =	sst s2  }
0xb: {  	[smem:$0x3FB1] =	sst s3  }
0xc: {  	[smem:$0x3FB2] =	sst s4  }
0xd: {  	[smem:$0x3FB3] =	sst s5  }
0xe: {  	[smem:$0x3FB4] =	sst s6  }
0xf: {  	[smem:$0x3FB5] =	sst s7  }
0x10: {  	[smem:$0x3FB6] =	sst s8  }
0x11: {  	[smem:$0x3FB7] =	sst s9;
	s0 =	simm.s32 @!p0 $0x0  }
0x12: {  	s1 =	sld [smem:$0x3F9D];
	s0 =	simm.s32 @p0 $0x1  }
0x13: {  	[smem:$0x3FB8] =	sst s0;
	s0 =	simm.s32 @!p1 $0x0  }
0x14: {  	s2 =	sld [smem:$0x3F9C];
	s0 =	simm.s32 @p1 $0x1  }
0x15: {  	[smem:$0x3FB9] =	sst s0;
	s0 =	simm.s32 @!p2 $0x0  }
0x16: {  	s3 =	sld [smem:$0x3FDB];
	s0 =	simm.s32 @p2 $0x1  }
0x17: {  	s4 =	simm.s32 $0x1BF5;
	[smem:$0x3FBB] =	sst s0  }
0x18: {  	s0 =	sld [smem:$0x3F9E];
	_ =	swait.ge [sflag:s4], $0x0  }
0x19: {  	s7 =	sld [smem:$0x3F9F]  }
0x1a: {  	s8 =	sadd.s32 $0xFFFFE003, lr  }
0x1b: {  	s9 =	sadd.s32 $0xFFFFFEF7, lr;
	s5 =	simm.s32 $0xFFFFFFFF;
	p2 =	slt.u32 s8, $0xFFFFF086  }
0x1c: {  	p1 =	slt.u32 s9, $0xF7A;
	s5 =	simm.s32 @!p2 $0x0  }
0x1d: {  	s5 =	simm.s32 @p1 $0x1;
	p0 =	seq.s32 s7, s2  }
0x1e: {  	s7 =	smul.u32 @!p0 $0xF7A, s2;
	p2 =	seq.s32 @!p0 s5, $0x0  }
0x1f: {  	s9 =	smul.u32 $0xF7A, s1;
	s8 =	simm.s32 @!p0 $0x1BF5;
	p2 =	por !p2, p0  }
0x20: {  	[sflag:s8] =	ssyncset.s32 @!p0 $0xFFFFF086;
	s6 =	sadd.s32 @!p0 s3, s7;
	s7 =	simm.s32 @!p0 $0x108  }
0x21: {  	s3 =	sadd.s32 s3, s9;
	s6 =	sadd.s32 @!p0 $0x88, s6;
	s7 =	simm.s32 @p2 $0x1082  }
0x22: {  	[simem:s7], [sflag:s8] =	dma.local @!p0 [hbm:s6], $0xF7A  }
0x23: {  	s9 =	sor.u32 $0xD0000000, s2;
	s6 =	simm.s32 $0x108;
	_ =	swait.ge @!p0 [sflag:s8], $0x0  }
0x24: {  	s3 =	sadd.s32 $0x88, s3;
	s6 =	simm.s32 @!p1 $0x1082;
	[sflag:s4] =	ssyncset.s32 $0xFFFFF086  }
0x25: {  	[simem:s6], [sflag:s4] =	dma.local [hbm:s3], $0xF7A  }
0x26: {  	[smem:$0x3F9F] =	sst s1;
	(tag) =	ssettag s2;
	_ =	strace s9  }
0x27: {  	s1 =	sld [smem:$0x3FAF]  }
0x28: {  	s2 =	sld [smem:$0x3FB0]  }
0x29: {  	s4 =	sld [smem:$0x3FB2]  }
0x2a: {  	p0 =	seq.s32 s5, $0x0;
	s5 =	sld [smem:$0x3FB3]  }
0x2b: {  	s6 =	sld [smem:$0x3FB4]  }
0x2c: {  	s7 =	sld [smem:$0x3FB5]  }
0x2d: {  	s3 =	simm.s32 $0x108;
	s8 =	sld [smem:$0x3FB6]  }
0x2e: {  	s3 =	simm.s32 @!p0 $0x1082;
	s9 =	sld [smem:$0x3FB7]  }
0x2f: {  	lr =	sadd.s32 s0, s3;
	s0 =	sld [smem:$0x3FAE]  }
0x30: {  	s3 =	sld [smem:$0x3FB1]  }
0x31: {  	[smem:$0x3FBA] =	sst s10  }
0x32: {  	s10 =	sld [smem:$0x3FB8];
	_ =	sdelay $0x3  }
0x33: {  	p0 =	seq.s32 s10, $0x1;
	s10 =	sld [smem:$0x3FBA];
	_ =	sdelay $0x3  }
0x34: {  	[smem:$0x3FBA] =	sst s10  }
0x35: {  	s10 =	sld [smem:$0x3FB9];
	_ =	sdelay $0x3  }
0x36: {  	p1 =	seq.s32 s10, $0x1;
	s10 =	sld [smem:$0x3FBA];
	_ =	sdelay $0x3  }
0x37: {  	[smem:$0x3FBA] =	sst s10  }
0x38: {  	s10 =	sld [smem:$0x3FBB]  }
0x39: {  	_ = 	snop;
	(pc) =	sbr.ind lr, $3  }
0x3a: {  	_ = 	snop  }
0x3b: {  	_ = 	snop  }
0x3c: {  	p2 =	seq.s32 s10, $0x1;
	s10 =	sld [smem:$0x3FBA]  }
0x3d: {  	_ =	shalt  }
0x3e: {  	_ =	shalt  }
0x3f: {  	_ =	shalt  }
0x40: {  	_ =	shalt  }
0x41: {  	_ =	shalt  }
0x42: {  	_ =	shalt  }
0x43: {  	_ =	shalt  }
0x44: {  	_ =	shalt  }
0x45: {  	_ =	shalt  }
0x46: {  	_ =	shalt  }
0x47: {  	_ =	shalt  }
0x48: {  	_ =	shalt  }
0x49: {  	_ =	shalt  }
0x4a: {  	_ =	shalt  }
0x4b: {  	_ =	shalt  }
0x4c: {  	_ =	shalt  }
0x4d: {  	_ =	shalt  }
0x4e: {  	_ =	shalt  }
0x4f: {  	_ =	shalt  }
0x50: {  	_ =	shalt  }
0x51: {  	_ =	shalt  }
0x52: {  	_ =	shalt  }
0x53: {  	_ =	shalt  }
0x54: {  	_ =	shalt  }
0x55: {  	_ =	shalt  }
0x56: {  	_ =	shalt  }
0x57: {  	_ =	shalt  }
0x58: {  	_ =	shalt  }
0x59: {  	_ =	shalt  }
0x5a: {  	_ =	shalt  }
0x5b: {  	_ =	shalt  }
0x5c: {  	_ =	shalt  }
0x5d: {  	_ =	shalt  }
0x5e: {  	_ =	shalt  }
0x5f: {  	_ =	shalt  }
0x60: {  	_ =	shalt  }
0x61: {  	_ =	shalt  }
0x62: {  	_ =	shalt  }
0x63: {  	_ =	shalt  }
0x64: {  	_ =	shalt  }
0x65: {  	_ =	shalt  }
0x66: {  	_ =	shalt  }
0x67: {  	_ =	shalt  }
0x68: {  	_ =	shalt  }
0x69: {  	_ =	shalt  }
0x6a: {  	_ =	shalt  }
0x6b: {  	_ =	shalt  }
0x6c: {  	_ =	shalt  }
0x6d: {  	_ =	shalt  }
0x6e: {  	_ =	shalt  }
0x6f: {  	_ =	shalt  }
0x70: {  	_ =	shalt  }
0x71: {  	_ =	shalt  }
0x72: {  	_ =	shalt  }
0x73: {  	_ =	shalt  }
0x74: {  	_ =	shalt  }
0x75: {  	_ =	shalt  }
0x76: {  	_ =	shalt  }
0x77: {  	_ =	shalt  }
0x78: {  	_ =	shalt  }
0x79: {  	_ =	shalt  }
0x7a: {  	_ =	shalt  }
0x7b: {  	_ =	shalt  }
0x7c: {  	_ =	shalt  }
0x7d: {  	_ =	shalt  }
0x7e: {  	_ =	shalt  }
0x7f: {  	_ =	shalt  }
0x80: {  	_ =	shalt  }
0x81: {  	_ =	shalt  }
0x82: {  	_ =	shalt  }
0x83: {  	_ =	shalt  }
0x84: {  	_ =	shalt  }
0x85: {  	_ =	shalt  }
0x86: {  	_ =	shalt  }
0x87: {  	_ =	shalt  }
.Lfunc_end0:
.L_simem_size_0:
called_computation.1_lowered:
.L_overlay_start_0:
0x88: {  	s2 =	sld [smem:$0x3FD9]  }
0x89: {  	s3 =	sld [smem:$0x3FFE];
	_ =	sdelay $0x1  }
0x8a: {  	s1 =	srdreg.scid  }
0x8b: {  	s0 =	sand.u32 $0x1, s1  }
0x8c: {  	s17 =	sshll.u32 s0, $0xA;
	s2 =	sadd.s32 s3, s2  }
0x8d: {  	s2 =	sadd.s32 s2, s17  }
0x8e: {  	[smem:$0x3FC6] =	sst s2  }
0x8f: {  	_ = 	snop  }
0x90: {  	s2 =	sld [smem:$0x3FC8];
	(tm) =	ssettm $0x1  }
0x91: {  	s18 =	sld [smem:$0x3FFB];
	_ =	sdelay $0x3  }
0x92: {  	_ =	strace s18  }
0x93: {  	s3 =	sld [smem:$0x3FFC];
	_ =	sdelay $0x3  }
0x94: {  	_ =	strace s3  }
0x95: {  	s3 =	sld [smem:$0x3FFD];
	_ =	sdelay $0x3  }
0x96: {  	_ =	strace s3  }
0x97: {  	_ =	strace $0x8FFFFFFF  }
0x98: {  	s19 =	sld [smem:$0x3FDB];
	_ =	sdelay $0x1  }
0x99: {  	s4 =	simm.s32 $_scs_section_size  }
0x9a: {  	s5 =	simm.s32 $_size__tile_overlayer_lowered;
	s6 =	simm.s32 $_tile_overlayer_lowered  }
0x9b: {  	s22 =	simm.s32 $0x1BFF;
	s21 =	sshll.u32 s6, $0x1;
	s3 =	sadd.s32 s4, s19  }
0x9c: {  	s7 =	simm.s32 $0x0;
	s20 =	sshll.u32 s5, $0x1;
	s5 =	sadd.s32 s21, s3  }
0x9d: {  	[timem:s7], [sflag:s22] =	dma.local [hbm:s5], s20  }
0x9e: {  	_ =	swait.ge [sflag:s22], s20  }
0x9f: {  	s4 =	ssub.s32 $0x0, s20;
	[sflag:s22] =	ssyncset.done $0x0  }
0xa0: {  	[sflag:s22] =	ssyncadd.s32 s4;
	_ =	sdelay $0x1  }
0xa1: {  	s23 =	simm.s32 $0x1B8B  }
0xa2: {  	_ =	swait.ge [sflag:s23], $0x1  }
0xa3: {  	[sflag:s23] =	ssyncset.done $0x0  }
0xa4: {  	s25 =	simm.s32 $0x1B8E;
	s24 =	sld [smem:$0x3FFE];
	[sflag:s23] =	ssyncadd.s32 $0xFFFFFFFF  }
0xa5: {  	s26 =	simm.s32 $execute0_lowered;
	[smem:$0x3FD2] =	sst s25  }
0xa6: {  	s5 =	sshll.u32 s26, $0x1;
	_ =	strace $0x80000046;
	[dreg:$0x1] =	wrdreg $0xFFFFFFFF  }
0xa7: {  	s28 =	simm.s32 $_size_execute0_lowered;
	s3 =	sadd.s32 s3, s5;
	[dreg:$0x0] =	wrdreg $0x0  }
0xa8: {  	s5 =	sshll.u32 s28, $0x1;
	[dreg:$0x2] =	wrdreg s3  }
0xa9: {  	[dreg:$0x3] =	wrdreg s5  }
0xaa: {  	[dreg:$0x4] =	wrdreg $0xC0  }
0xab: {  	_ =	task [dreg:s7], $0x5FFFF  }
0xac: {  	[dreg:$0x1] =	wrdreg $0xFFFFFFFF  }
0xad: {  	[dreg:$0x0] =	wrdreg $0x60  }
0xae: {  	[dreg:$0x2] =	wrdreg s24  }
0xaf: {  	[dreg:$0x3] =	wrdreg s2  }
0xb0: {  	[dreg:$0x4] =	wrdreg $0x9  }
0xb1: {  	_ =	task.clear_ibuf [dreg:s7], $0x5FFFF;
	_ =	strace $0x90000046  }
0xb2: {  	s29 =	simm.s32 $0x9;
	_ =	strace $0x80000048  }
0xb3: {  	_ =	swait.ge [sflag:s29], $0x1  }
0xb4: {  	[sflag:s29] =	ssyncadd.s32 $0xFFFFFFFF  }
0xb5: {  	_ =	strace $0x90000048  }
0xb6: {  	_ =	sfence  }
0xb7: {  	s30 =	sld [smem:$0x0];
	_ =	sdelay $0x2  }
0xb8: {  	s31 =	sshll.u32 s1, $0xD;
	s1 =	sshrl.u32 s1, $0x2  }
0xb9: {  	s3 =	sand.u32 $0x4000, s31;
	s1 =	sadd.s32 s1, s30  }
0xba: {  	s0 =	sor.u32 s3, s0;
	s1 =	sshll.u32 s1, $0x11  }
0xbb: {  	s0 =	sor.u32 s1, s0  }
0xbc: {  	s0 =	sadd.s32 $0x8F2B, s0  }
0xbd: {  	[sflag:s0] =	ssyncadd.remote.s32 $0x1  }
0xbe: {  	_ =	sfence.sel $0xFFFF  }
0xbf: {  	[dreg:$0x0] =	wrdreg $0xFFFFFFFF;
	(pc) =	sbr.abs _section_cstart, $3  }
0xc0: {  	[dreg:$0x1] =	wrdreg $0xFFFFFFFF  }
0xc1: {  	_ =	task.clear_ibuf [dreg:s7], $0x2FFFF;
	_ =	strace $0x9FFFFFFF  }
0xc2: {  	(tm) =	ssettm $0x7FFFFFFF  }
0xc3: {  	_ =	shalt  }
tec
execute0_lowered:
.L_overlay_start_1:
0x0: {  	(tag) =	ssettag $0x1  }
0x1: {  	s0 =	rddreg [dreg:$0x0]  }
0x2: {  	s1 =	rddreg [dreg:$0x1]  }
0x3: {  	s3 =	srdreg.scid;
	s11 =	stileid.u32;
	s2 =	simm.s32 $0x0  }
0x4: {  	s28 =	simm.s32 $0x180;
	s29 =	simm.s32 $0x6400;
	s12 =	smul.u32 $0x1900, s11  }
0x5: {  	s31 =	simm.s32 $0x3;
	s5 =	sand.u32 $0x1, s3;
	s17 =	smul.u32 $0xC800, s11  }
0x6: {  	s30 =	simm.s32 $0xA400;
	s13 =	sshll.u32 s11, $0x1;
	s20 =	smul.u32 $0x6400, s5  }
0x7: {  	s6 =	sor.u32 s5, s13;
	s7 =	ssub.s32 $0x2, s5;
	s5 =	smul.u32 $0xC80, s5  }
0x8: {  	[smem:$0x7FF] =	sst s2;
	s3 =	sadd.s32 $0x1E85000, s0;
	s4 =	smul.u32 $0xC80, s6  }
0x9: {  	s0 =	sadd.s32 $0x800, s0;
	s11 =	simm.s32 $0x0;
	s9 =	smul.u32 $0x6400, s6  }
0xa: {  	_ =	strace $0x80000047;
	s8 =	sshrl.u32 s7, $0x1;
	s15 =	smul.u32 $0x64000, s6  }
0xb: {  	s6 =	smul.u32 $0x320000, s6;
	s7 =	ssub.s32 s7, s8;
	s8 =	sadd.s32 s20, s17  }
0xc: {  	s17 =	simm.s32 $0xA;
	s4 =	sadd.s32 s1, s4;
	s13 =	sadd.s32 s0, s15  }
0xd: {  	s9 =	sshrl.u32 s9, $0x3;
	s23 =	smax.u32 s7, $0x1;
	[dreg:$0x7] =	wrdreg s13  }
0xe: {  	s6 =	sshrl.u32 s6, $0x3;
	s14 =	sadd.s32 $0x20, s4;
	[dreg:$0xd] =	wrdreg s23  }
0xf: {  	s22 =	sshll.u32 s8, $0x4;
	s18 =	sadd.s32 $0x1000, s13;
	[dreg:$0x4] =	wrdreg s14  }
0x10: {  	s8 =	simm.s32 $0x5;
	s10 =	sadd.s32 $0x40, s4;
	[dreg:$0x9] =	wrdreg s18  }
0x11: {  	s19 =	sadd.s32 $0x60, s4;
	s9 =	sadd.s32 s1, s9;
	[dreg:$0x5] =	wrdreg s10  }
0x12: {  	s7 =	simm.s32 $0x7;
	s16 =	sadd.s32 $0x80, s9;
	[dreg:$0x6] =	wrdreg s19  }
0x13: {  	s6 =	sadd.s32 s0, s6;
	s9 =	sadd.s32 $0xA0, s9;
	[dreg:$0x8] =	wrdreg s16  }
0x14: {  	s15 =	simm.s32 $0xB;
	s21 =	sadd.s32 $0x62000, s6;
	[dreg:$0xa] =	wrdreg s9  }
0x15: {  	s1 =	sadd.s32 s12, s1;
	s6 =	sadd.s32 $0x63000, s6;
	[dreg:$0xb] =	wrdreg s21  }
0x16: {  	s0 =	sadd.s32 s22, s0;
	s1 =	sadd.s32 s5, s1;
	[dreg:$0xc] =	wrdreg s6  }
0x17: {  	s23 =	simm.s32 $0x80;
	s24 =	sadd.s32 $0x5000, s0;
	[dreg:$0x3] =	wrdreg s1  }
0x18: {  	s22 =	simm.s32 $0x280;
	s25 =	sadd.s32 $0x4000, s0;
	[dreg:$0xe] =	wrdreg s24  }
0x19: {  	s13 =	simm.s32 $0x40;
	s26 =	sadd.s32 $0x3000, s0;
	[dreg:$0xf] =	wrdreg s25  }
0x1a: {  	s0 =	sadd.s32 $0x2000, s0;
	s5 =	simm.s32 $0x2400;
	[dreg:$0x10] =	wrdreg s26  }
0x1b: {  	s14 =	simm.s32 $0x6;
	s18 =	simm.s32 $0x8;
	[dreg:$0x11] =	wrdreg s0  }
0x1c: {  	s24 =	simm.s32 $0x400;
	s0 =	simm.s32 $0x4400;
	s9 =	simm.s32 $0x4  }
0x1d: {  	s26 =	simm.s32 $0x380;
	s6 =	simm.s32 $0x9;
	s16 =	simm.s32 $0xC  }
.LBB2_1:
0x1e: {  	[tilespmem:s2], [sflag:$0x1] =	stream.linear.gather [hbm4b:s4+s2], $0x100, $0x38;
	[tilespmem:$0x10400] =	vst v63  }
0x1f: {  	s1 =	rddreg [dreg:$0x4];
	s25 =	simm.s32 $0x100  }
0x20: {  	[tilespmem:s25], [sflag:$0x2] =	stream.linear.gather [hbm4b:s1+s2], $0x100, $0x38;
	[tilespmem:$0x10400] =	vst v63  }
0x21: {  	s20 =	simm.s32 $0x200  }
0x22: {  	[tilespmem:s20], [sflag:$0x3] =	stream.linear.gather [hbm4b:s10+s2], $0x100, $0x38;
	[tilespmem:$0x10400] =	vst v63  }
0x23: {  	[dreg:$0x12] =	wrdreg s11;
	s21 =	simm.s32 $0x300;
	s11 =	simm.s32 $0x1  }
0x24: {  	[tilespmem:s21], [sflag:$0x4] =	stream.linear.gather [hbm4b:s19+s2], $0x100, $0x38;
	[tilespmem:$0x10400] =	vst v63  }
0x25: {  	_ =	swait.ge [sflag:s11], $0x100  }
0x26: {  	[sflag:s11] =	ssyncset.done $0x0  }
0x27: {  	[sflag:s11] =	ssyncadd.s32 $0xFFFFFF00  }
0x28: {  	[tilespmem:s24], [sflag:$0x5] =	stream.indirect.gather [hbm4b:s3+s23], $0x40, s2, s23, $0xb8;
	[tilespmem:$0x10400] =	vst v63  }
0x29: {  	s12 =	simm.s32 $0x2  }
0x2a: {  	[tilespmem:s5], [sflag:$0x5] =	stream.indirect.gather [hbm4b:s3+s23], $0x40, s23, s23, $0xb8;
	[tilespmem:$0x10400] =	vst v63  }
0x2b: {  	_ =	swait.ge [sflag:s12], $0x100  }
0x2c: {  	[sflag:s12] =	ssyncset.done $0x0  }
0x2d: {  	[sflag:s12] =	ssyncadd.s32 $0xFFFFFF00  }
0x2e: {  	[tilespmem:s0], [sflag:$0x6] =	stream.indirect.gather [hbm4b:s3+s23], $0x40, s25, s23, $0xb8;
	[tilespmem:$0x10400] =	vst v63  }
0x2f: {  	_ = 	snop  }
0x30: {  	[tilespmem:s29], [sflag:$0x6] =	stream.indirect.gather [hbm4b:s3+s23], $0x40, s28, s23, $0xb8;
	[tilespmem:$0x10400] =	vst v63  }
0x31: {  	_ =	swait.ge [sflag:s31], $0x100  }
0x32: {  	[sflag:s31] =	ssyncset.done $0x0  }
0x33: {  	s10 =	simm.s32 $0x8400;
	[sflag:s31] =	ssyncadd.s32 $0xFFFFFF00  }
0x34: {  	[tilespmem:s10], [sflag:$0x7] =	stream.indirect.gather [hbm4b:s3+s23], $0x40, s20, s23, $0xb8;
	[tilespmem:$0x10400] =	vst v63  }
0x35: {  	_ = 	snop  }
0x36: {  	[tilespmem:s30], [sflag:$0x7] =	stream.indirect.gather [hbm4b:s3+s23], $0x40, s22, s23, $0xb8;
	[tilespmem:$0x10400] =	vst v63  }
0x37: {  	_ =	swait.ge [sflag:s9], $0x100  }
0x38: {  	[sflag:s9] =	ssyncset.done $0x0  }
0x39: {  	s19 =	simm.s32 $0xC400;
	[sflag:s9] =	ssyncadd.s32 $0xFFFFFF00  }
0x3a: {  	[tilespmem:s19], [sflag:$0x8] =	stream.indirect.gather [hbm4b:s3+s23], $0x40, s21, s23, $0xb8;
	[tilespmem:$0x10400] =	vst v63  }
0x3b: {  	s19 =	simm.s32 $0xE400  }
0x3c: {  	[tilespmem:s19], [sflag:$0x8] =	stream.indirect.gather [hbm4b:s3+s23], $0x40, s26, s23, $0xb8;
	[tilespmem:$0x10400] =	vst v63  }
0x3d: {  	_ =	swait.ge [sflag:s8], $0x2000  }
0x3e: {  	[sflag:s8] =	ssyncset.done $0x0  }
0x3f: {  	[sflag:s8] =	ssyncadd.s32 $0xFFFFE000  }
0x40: {  	_ =	swait.ge [sflag:s8], $0x2000  }
0x41: {  	[sflag:s8] =	ssyncset.done $0x0  }
0x42: {  	s19 =	rddreg [dreg:$0x7];
	[sflag:s8] =	ssyncadd.s32 $0xFFFFE000  }
0x43: {  	[hbm4b:s19+s13] =	stream.strided.scatter [tilespmem:s24], [sflag:$0x9], $0x4000, s23, s13, $0x38;
	[tilespmem:$0x10400] =	vst v63  }
0x44: {  	s19 =	rddreg [dreg:$0x8]  }
0x45: {  	[tilespmem:s2], [sflag:$0x1] =	stream.linear.gather [hbm4b:s19+s2], $0x100, $0x38;
	[tilespmem:$0x10400] =	vst v63  }
0x46: {  	_ =	swait.ge [sflag:s14], $0x2000  }
0x47: {  	[sflag:s14] =	ssyncset.done $0x0  }
0x48: {  	[sflag:s14] =	ssyncadd.s32 $0xFFFFE000  }
0x49: {  	_ =	swait.ge [sflag:s14], $0x2000  }
0x4a: {  	[sflag:s14] =	ssyncset.done $0x0  }
0x4b: {  	s19 =	rddreg [dreg:$0x9];
	[sflag:s14] =	ssyncadd.s32 $0xFFFFE000  }
0x4c: {  	[hbm4b:s19+s13] =	stream.strided.scatter [tilespmem:s0], [sflag:$0xA], $0x4000, s23, s13, $0x38;
	[tilespmem:$0x10400] =	vst v63  }
0x4d: {  	s19 =	rddreg [dreg:$0xa]  }
0x4e: {  	[tilespmem:s25], [sflag:$0x2] =	stream.linear.gather [hbm4b:s19+s2], $0x100, $0x38;
	[tilespmem:$0x10400] =	vst v63  }
0x4f: {  	_ =	swait.ge [sflag:s6], $0x4000  }
0x50: {  	[sflag:s6] =	ssyncset.done $0x0  }
0x51: {  	[sflag:s6] =	ssyncadd.s32 $0xFFFFC000  }
0x52: {  	_ =	swait.ge [sflag:s11], $0x100  }
0x53: {  	[sflag:s11] =	ssyncset.done $0x0  }
0x54: {  	[sflag:s11] =	ssyncadd.s32 $0xFFFFFF00  }
0x55: {  	[tilespmem:s24], [sflag:$0x5] =	stream.indirect.gather [hbm4b:s3+s23], $0x40, s2, s23, $0xb8;
	[tilespmem:$0x10400] =	vst v63  }
0x56: {  	_ = 	snop  }
0x57: {  	[tilespmem:s5], [sflag:$0x5] =	stream.indirect.gather [hbm4b:s3+s23], $0x40, s23, s23, $0xb8;
	[tilespmem:$0x10400] =	vst v63  }
0x58: {  	_ =	swait.ge [sflag:s7], $0x2000  }
0x59: {  	[sflag:s7] =	ssyncset.done $0x0  }
0x5a: {  	[sflag:s7] =	ssyncadd.s32 $0xFFFFE000  }
0x5b: {  	_ =	swait.ge [sflag:s7], $0x2000  }
0x5c: {  	[sflag:s7] =	ssyncset.done $0x0;
	s5 =	rddreg [dreg:$0x3]  }
0x5d: {  	s11 =	rddreg [dreg:$0x11];
	[sflag:s7] =	ssyncadd.s32 $0xFFFFE000;
	s1 =	sadd.s32 $0x120, s5  }
0x5e: {  	[hbm4b:s11+s13] =	stream.strided.scatter [tilespmem:s10], [sflag:$0xB], $0x4000, s23, s13, $0x38;
	[tilespmem:$0x10400] =	vst v63  }
0x5f: {  	s19 =	sadd.s32 $0xFFFFFFA0, s1  }
0x60: {  	[tilespmem:s20], [sflag:$0x3] =	stream.linear.gather [hbm4b:s19+s2], $0x100, $0x38;
	[tilespmem:$0x10400] =	vst v63  }
0x61: {  	_ =	swait.ge [sflag:s17], $0x4000  }
0x62: {  	[sflag:s17] =	ssyncset.done $0x0  }
0x63: {  	[sflag:s17] =	ssyncadd.s32 $0xFFFFC000  }
0x64: {  	_ =	swait.ge [sflag:s12], $0x100  }
0x65: {  	[sflag:s12] =	ssyncset.done $0x0  }
0x66: {  	[sflag:s12] =	ssyncadd.s32 $0xFFFFFF00  }
0x67: {  	[tilespmem:s0], [sflag:$0x6] =	stream.indirect.gather [hbm4b:s3+s23], $0x40, s25, s23, $0xb8;
	[tilespmem:$0x10400] =	vst v63  }
0x68: {  	_ = 	snop  }
0x69: {  	[tilespmem:s29], [sflag:$0x6] =	stream.indirect.gather [hbm4b:s3+s23], $0x40, s28, s23, $0xb8;
	[tilespmem:$0x10400] =	vst v63  }
0x6a: {  	_ =	swait.ge [sflag:s18], $0x2000  }
0x6b: {  	[sflag:s18] =	ssyncset.done $0x0  }
0x6c: {  	[sflag:s18] =	ssyncadd.s32 $0xFFFFE000  }
0x6d: {  	_ =	swait.ge [sflag:s18], $0x2000  }
0x6e: {  	[sflag:s18] =	ssyncset.done $0x0  }
0x6f: {  	s12 =	simm.s32 $0xC400;
	s19 =	rddreg [dreg:$0x10];
	[sflag:s18] =	ssyncadd.s32 $0xFFFFE000  }
0x70: {  	[hbm4b:s19+s13] =	stream.strided.scatter [tilespmem:s12], [sflag:$0xC], $0x4000, s23, s13, $0x38;
	[tilespmem:$0x10400] =	vst v63  }
0x71: {  	s1 =	sadd.s32 $0xFFFFFFC0, s1  }
0x72: {  	[tilespmem:s21], [sflag:$0x4] =	stream.linear.gather [hbm4b:s1+s2], $0x100, $0x38;
	[tilespmem:$0x10400] =	vst v63  }
0x73: {  	_ =	swait.ge [sflag:s15], $0x4000  }
0x74: {  	[sflag:s15] =	ssyncset.done $0x0  }
0x75: {  	[sflag:s15] =	ssyncadd.s32 $0xFFFFC000  }
0x76: {  	_ =	swait.ge [sflag:s31], $0x100  }
0x77: {  	[sflag:s31] =	ssyncset.done $0x0  }
0x78: {  	[sflag:s31] =	ssyncadd.s32 $0xFFFFFF00  }
0x79: {  	[tilespmem:s10], [sflag:$0x7] =	stream.indirect.gather [hbm4b:s3+s23], $0x40, s20, s23, $0xb8;
	[tilespmem:$0x10400] =	vst v63  }
0x7a: {  	_ = 	snop  }
0x7b: {  	[tilespmem:s30], [sflag:$0x7] =	stream.indirect.gather [hbm4b:s3+s23], $0x40, s22, s23, $0xb8;
	[tilespmem:$0x10400] =	vst v63  }
0x7c: {  	_ =	swait.ge [sflag:s8], $0x2000  }
0x7d: {  	[sflag:s8] =	ssyncset.done $0x0  }
0x7e: {  	[sflag:s8] =	ssyncadd.s32 $0xFFFFE000  }
0x7f: {  	_ =	swait.ge [sflag:s8], $0x2000  }
0x80: {  	p0 =	por $0x0, $0x0;
	s1 =	simm.s32 $0x100;
	[sflag:s8] =	ssyncset.done $0x0  }
0x81: {  	s1 =	simm.s32 @p0 $0x0;
	s22 =	rddreg [dreg:$0xf];
	[sflag:s8] =	ssyncadd.s32 $0xFFFFE000  }
0x82: {  	[hbm4b:s22+s13] =	stream.strided.scatter [tilespmem:s24], [sflag:$0x9], $0x4000, s23, s13, $0x38;
	[tilespmem:$0x10400] =	vst v63  }
0x83: {  	s1 =	sadd.s32 s1, s4  }
0x84: {  	[tilespmem:s2], [sflag:$0x1] =	stream.linear.gather [hbm4b:s1+s2], $0x100, $0x38;
	[tilespmem:$0x10400] =	vst v63  }
0x85: {  	_ =	swait.ge [sflag:s16], $0x4000  }
0x86: {  	[sflag:s16] =	ssyncset.done $0x0  }
0x87: {  	[sflag:s16] =	ssyncadd.s32 $0xFFFFC000  }
0x88: {  	_ =	swait.ge [sflag:s9], $0x100  }
0x89: {  	[sflag:s9] =	ssyncset.done $0x0  }
0x8a: {  	[sflag:s9] =	ssyncadd.s32 $0xFFFFFF00  }
0x8b: {  	[tilespmem:s12], [sflag:$0x8] =	stream.indirect.gather [hbm4b:s3+s23], $0x40, s21, s23, $0xb8;
	[tilespmem:$0x10400] =	vst v63  }
0x8c: {  	s25 =	simm.s32 $0xE400  }
0x8d: {  	[tilespmem:s25], [sflag:$0x8] =	stream.indirect.gather [hbm4b:s3+s23], $0x40, s26, s23, $0xb8;
	[tilespmem:$0x10400] =	vst v63  }
0x8e: {  	_ =	swait.ge [sflag:s14], $0x2000  }
0x8f: {  	[sflag:s14] =	ssyncset.done $0x0  }
0x90: {  	s28 =	simm.s32 $0x400;
	s29 =	sadd.s32 $0x4000, s11;
	[sflag:s14] =	ssyncadd.s32 $0xFFFFE000  }
0x91: {  	s30 =	sadd.s32 $0x4000, s19;
	s1 =	simm.s32 $0x120;
	_ =	swait.ge [sflag:s14], $0x2000  }
0x92: {  	s5 =	smov.u32 s22;
	s1 =	simm.s32 @p0 $0x20;
	[sflag:s14] =	ssyncset.done $0x0  }
0x93: {  	s11 =	sadd.s32 s1, s4;
	s26 =	rddreg [dreg:$0xe];
	[sflag:s14] =	ssyncadd.s32 $0xFFFFE000  }
0x94: {  	[hbm4b:s26+s13] =	stream.strided.scatter [tilespmem:s0], [sflag:$0xA], $0x4000, s23, s13, $0x38;
	[tilespmem:$0x10400] =	vst v63  }
0x95: {  	s25 =	simm.s32 $0x1A0;
	s1 =	smov.u32 s26;
	s0 =	simm.s32 $0x4400  }
.LBB2_2:
0x96: {  	s20 =	simm.s32 $0x100  }
0x97: {  	[tilespmem:s20], [sflag:$0x2] =	stream.linear.gather [hbm4b:s11+s2], $0x100, $0x38;
	[tilespmem:$0x10400] =	vst v63  }
0x98: {  	_ =	swait.ge [sflag:s6], $0x4000  }
0x99: {  	[sflag:s6] =	ssyncset.done $0x0  }
0x9a: {  	s10 =	simm.s32 $0x1;
	[sflag:s6] =	ssyncadd.s32 $0xFFFFC000  }
0x9b: {  	_ =	swait.ge [sflag:s10], $0x100  }
0x9c: {  	[sflag:s10] =	ssyncset.done $0x0  }
0x9d: {  	[sflag:s10] =	ssyncadd.s32 $0xFFFFFF00  }
0x9e: {  	[tilespmem:s28], [sflag:$0x5] =	stream.indirect.gather [hbm4b:s3+s23], $0x40, s2, s23, $0xb8;
	[tilespmem:$0x10400] =	vst v63  }
0x9f: {  	s12 =	simm.s32 $0x2400  }
0xa0: {  	[tilespmem:s12], [sflag:$0x5] =	stream.indirect.gather [hbm4b:s3+s23], $0x40, s23, s23, $0xb8;
	[tilespmem:$0x10400] =	vst v63  }
0xa1: {  	_ =	swait.ge [sflag:s7], $0x2000  }
0xa2: {  	[sflag:s7] =	ssyncset.done $0x0  }
0xa3: {  	[sflag:s7] =	ssyncadd.s32 $0xFFFFE000  }
0xa4: {  	_ =	swait.ge [sflag:s7], $0x2000  }
0xa5: {  	s11 =	smov.u32 s25;
	[sflag:s7] =	ssyncset.done $0x0;
	s12 =	rddreg [dreg:$0x3]  }
0xa6: {  	s22 =	simm.s32 $0x8400;
	[sflag:s7] =	ssyncadd.s32 $0xFFFFE000;
	s12 =	sadd.s32 s11, s12  }
0xa7: {  	[hbm4b:s29+s13] =	stream.strided.scatter [tilespmem:s22], [sflag:$0xB], $0x4000, s23, s13, $0x38;
	[tilespmem:$0x10400] =	vst v63  }
0xa8: {  	s21 =	simm.s32 $0x200;
	s19 =	sadd.s32 $0xFFFFFFA0, s12  }
0xa9: {  	[tilespmem:s21], [sflag:$0x3] =	stream.linear.gather [hbm4b:s19+s2], $0x100, $0x38;
	[tilespmem:$0x10400] =	vst v63  }
0xaa: {  	_ =	swait.ge [sflag:s17], $0x4000  }
0xab: {  	[sflag:s17] =	ssyncset.done $0x0  }
0xac: {  	s19 =	simm.s32 $0x2;
	[sflag:s17] =	ssyncadd.s32 $0xFFFFC000  }
0xad: {  	_ =	swait.ge [sflag:s19], $0x100  }
0xae: {  	[sflag:s19] =	ssyncset.done $0x0  }
0xaf: {  	[sflag:s19] =	ssyncadd.s32 $0xFFFFFF00  }
0xb0: {  	[tilespmem:s0], [sflag:$0x6] =	stream.indirect.gather [hbm4b:s3+s23], $0x40, s20, s23, $0xb8;
	[tilespmem:$0x10400] =	vst v63  }
0xb1: {  	s24 =	simm.s32 $0x180;
	s26 =	simm.s32 $0x6400  }
0xb2: {  	[tilespmem:s26], [sflag:$0x6] =	stream.indirect.gather [hbm4b:s3+s23], $0x40, s24, s23, $0xb8;
	[tilespmem:$0x10400] =	vst v63  }
0xb3: {  	_ =	swait.ge [sflag:s18], $0x2000  }
0xb4: {  	[sflag:s18] =	ssyncset.done $0x0  }
0xb5: {  	[sflag:s18] =	ssyncadd.s32 $0xFFFFE000  }
0xb6: {  	_ =	swait.ge [sflag:s18], $0x2000  }
0xb7: {  	[sflag:s18] =	ssyncset.done $0x0  }
0xb8: {  	s26 =	simm.s32 $0xC400;
	[sflag:s18] =	ssyncadd.s32 $0xFFFFE000  }
0xb9: {  	[hbm4b:s30+s13] =	stream.strided.scatter [tilespmem:s26], [sflag:$0xC], $0x4000, s23, s13, $0x38;
	[tilespmem:$0x10400] =	vst v63  }
0xba: {  	s12 =	sadd.s32 $0xFFFFFFC0, s12;
	s24 =	simm.s32 $0x300  }
0xbb: {  	[tilespmem:s24], [sflag:$0x4] =	stream.linear.gather [hbm4b:s12+s2], $0x100, $0x38;
	[tilespmem:$0x10400] =	vst v63  }
0xbc: {  	_ =	swait.ge [sflag:s15], $0x4000  }
0xbd: {  	[sflag:s15] =	ssyncset.done $0x0  }
0xbe: {  	[sflag:s15] =	ssyncadd.s32 $0xFFFFC000  }
0xbf: {  	_ =	swait.ge [sflag:s31], $0x100  }
0xc0: {  	[sflag:s31] =	ssyncset.done $0x0  }
0xc1: {  	[sflag:s31] =	ssyncadd.s32 $0xFFFFFF00  }
0xc2: {  	[tilespmem:s22], [sflag:$0x7] =	stream.indirect.gather [hbm4b:s3+s23], $0x40, s21, s23, $0xb8;
	[tilespmem:$0x10400] =	vst v63  }
0xc3: {  	s22 =	simm.s32 $0x280;
	s21 =	simm.s32 $0xA400  }
0xc4: {  	[tilespmem:s21], [sflag:$0x7] =	stream.indirect.gather [hbm4b:s3+s23], $0x40, s22, s23, $0xb8;
	[tilespmem:$0x10400] =	vst v63  }
0xc5: {  	_ =	swait.ge [sflag:s8], $0x2000  }
0xc6: {  	[sflag:s8] =	ssyncset.done $0x0  }
0xc7: {  	[sflag:s8] =	ssyncadd.s32 $0xFFFFE000  }
0xc8: {  	_ =	swait.ge [sflag:s8], $0x2000  }
0xc9: {  	p1 =	seq.s32 s11, $0xCA0;
	s12 =	sadd.s32 $0xFFFFFFE0, s11;
	[sflag:s8] =	ssyncset.done $0x0  }
0xca: {  	s5 =	sadd.s32 $0x4000, s5;
	s12 =	simm.s32 @p1 $0x0;
	[sflag:s8] =	ssyncadd.s32 $0xFFFFE000  }
0xcb: {  	[hbm4b:s5+s13] =	stream.strided.scatter [tilespmem:s28], [sflag:$0x9], $0x4000, s23, s13, $0x38;
	[tilespmem:$0x10400] =	vst v63  }
0xcc: {  	s12 =	sadd.s32 s12, s4  }
0xcd: {  	[tilespmem:s2], [sflag:$0x1] =	stream.linear.gather [hbm4b:s12+s2], $0x100, $0x38;
	[tilespmem:$0x10400] =	vst v63  }
0xce: {  	_ =	swait.ge [sflag:s16], $0x4000  }
0xcf: {  	[sflag:s16] =	ssyncset.done $0x0  }
0xd0: {  	[sflag:s16] =	ssyncadd.s32 $0xFFFFC000  }
0xd1: {  	_ =	swait.ge [sflag:s9], $0x100  }
0xd2: {  	[sflag:s9] =	ssyncset.done $0x0  }
0xd3: {  	[sflag:s9] =	ssyncadd.s32 $0xFFFFFF00  }
0xd4: {  	[tilespmem:s26], [sflag:$0x8] =	stream.indirect.gather [hbm4b:s3+s23], $0x40, s24, s23, $0xb8;
	[tilespmem:$0x10400] =	vst v63  }
0xd5: {  	p0 =	sne.s32 s25, $0xCA0;
	s26 =	simm.s32 $0x380;
	s24 =	simm.s32 $0xE400  }
0xd6: {  	[tilespmem:s24], [sflag:$0x8] =	stream.indirect.gather [hbm4b:s3+s23], $0x40, s26, s23, $0xb8;
	[tilespmem:$0x10400] =	vst v63  }
0xd7: {  	s1 =	sadd.s32 $0x4000, s1;
	s25 =	sadd.s32 $0x80, s25;
	_ =	swait.ge [sflag:s14], $0x2000  }
0xd8: {  	s10 =	simm.s32 $0x8400;
	s29 =	sadd.s32 $0x4000, s29;
	[sflag:s14] =	ssyncset.done $0x0  }
.Ltmp0:
0xd9: {  	s19 =	simm.s32 $0x100;
	[sflag:s14] =	ssyncadd.s32 $0xFFFFE000;
	(pc) =	sbr.rel @p0 .LBB2_2-.Ltmp0, $4  }
0xda: {  	s20 =	simm.s32 $0x200;
	s11 =	simm.s32 @p1 $0x20;
	_ =	swait.ge [sflag:s14], $0x2000  }
0xdb: {  	s30 =	sadd.s32 $0x4000, s30;
	s11 =	sadd.s32 s11, s4;
	[sflag:s14] =	ssyncset.done $0x0  }
0xdc: {  	s21 =	simm.s32 $0x300;
	s12 =	simm.s32 $0xC400;
	[sflag:s14] =	ssyncadd.s32 $0xFFFFE000  }
0xdd: {  	[hbm4b:s1+s13] =	stream.strided.scatter [tilespmem:s0], [sflag:$0xA], $0x4000, s23, s13, $0x38;
	[tilespmem:$0x10400] =	vst v63  }
0xde: {  	[tilespmem:s19], [sflag:$0x2] =	stream.linear.gather [hbm4b:s11+s2], $0x100, $0x38;
	[tilespmem:$0x10400] =	vst v63  }
0xdf: {  	_ =	swait.ge [sflag:s7], $0x2000  }
0xe0: {  	[sflag:s7] =	ssyncset.done $0x0  }
0xe1: {  	[sflag:s7] =	ssyncadd.s32 $0xFFFFE000  }
0xe2: {  	_ =	swait.ge [sflag:s7], $0x2000  }
0xe3: {  	[sflag:s7] =	ssyncset.done $0x0  }
0xe4: {  	s1 =	rddreg [dreg:$0xb];
	[sflag:s7] =	ssyncadd.s32 $0xFFFFE000  }
0xe5: {  	[hbm4b:s1+s13] =	stream.strided.scatter [tilespmem:s10], [sflag:$0xB], $0x4000, s23, s13, $0x38;
	[tilespmem:$0x10400] =	vst v63  }
0xe6: {  	s10 =	rddreg [dreg:$0x5]  }
0xe7: {  	[tilespmem:s20], [sflag:$0x3] =	stream.linear.gather [hbm4b:s10+s2], $0x100, $0x38;
	[tilespmem:$0x10400] =	vst v63  }
0xe8: {  	_ =	swait.ge [sflag:s18], $0x2000  }
0xe9: {  	[sflag:s18] =	ssyncset.done $0x0  }
0xea: {  	[sflag:s18] =	ssyncadd.s32 $0xFFFFE000  }
0xeb: {  	_ =	swait.ge [sflag:s18], $0x2000  }
0xec: {  	[sflag:s18] =	ssyncset.done $0x0  }
0xed: {  	s20 =	rddreg [dreg:$0xc];
	[sflag:s18] =	ssyncadd.s32 $0xFFFFE000  }
0xee: {  	[hbm4b:s20+s13] =	stream.strided.scatter [tilespmem:s12], [sflag:$0xC], $0x4000, s23, s13, $0x38;
	[tilespmem:$0x10400] =	vst v63  }
0xef: {  	s19 =	rddreg [dreg:$0x6]  }
0xf0: {  	[tilespmem:s21], [sflag:$0x4] =	stream.linear.gather [hbm4b:s19+s2], $0x100, $0x38;
	[tilespmem:$0x10400] =	vst v63  }
0xf1: {  	_ =	swait.ge [sflag:s6], $0x4000  }
0xf2: {  	[sflag:s6] =	ssyncset.done $0x0  }
0xf3: {  	s0 =	simm.s32 $0x1;
	[sflag:s6] =	ssyncadd.s32 $0xFFFFC000  }
0xf4: {  	_ =	swait.ge [sflag:s0], $0x100  }
0xf5: {  	[sflag:s0] =	ssyncset.done $0x0  }
0xf6: {  	[sflag:s0] =	ssyncadd.s32 $0xFFFFFF00  }
0xf7: {  	_ =	swait.ge [sflag:s17], $0x4000  }
0xf8: {  	[sflag:s17] =	ssyncset.done $0x0  }
0xf9: {  	s21 =	simm.s32 $0x2;
	[sflag:s17] =	ssyncadd.s32 $0xFFFFC000  }
0xfa: {  	_ =	swait.ge [sflag:s21], $0x100  }
0xfb: {  	[sflag:s21] =	ssyncset.done $0x0  }
0xfc: {  	[sflag:s21] =	ssyncadd.s32 $0xFFFFFF00  }
0xfd: {  	_ =	swait.ge [sflag:s15], $0x4000  }
0xfe: {  	[sflag:s15] =	ssyncset.done $0x0  }
0xff: {  	[sflag:s15] =	ssyncadd.s32 $0xFFFFC000  }
0x100: {  	_ =	swait.ge [sflag:s31], $0x100  }
0x101: {  	[sflag:s31] =	ssyncset.done $0x0  }
0x102: {  	[sflag:s31] =	ssyncadd.s32 $0xFFFFFF00  }
0x103: {  	_ =	swait.ge [sflag:s16], $0x4000  }
0x104: {  	[sflag:s16] =	ssyncset.done $0x0  }
0x105: {  	[sflag:s16] =	ssyncadd.s32 $0xFFFFC000  }
0x106: {  	_ =	swait.ge [sflag:s9], $0x100  }
0x107: {  	s24 =	rddreg [dreg:$0x12]  }
0x108: {  	s25 =	rddreg [dreg:$0xd];
	s11 =	sadd.s32 $0x1, s24  }
0x109: {  	p0 =	sne.s32 s11, s25  }
.Ltmp1:
0x10a: {  	_ = 	snop;
	(pc) =	sbr.rel @p0 .LBB2_1-.Ltmp1, $4  }
0x10b: {  	_ = 	snop  }
0x10c: {  	s5 =	simm.s32 $0x2400;
	s28 =	simm.s32 $0x180  }
0x10d: {  	s29 =	simm.s32 $0x6400;
	s30 =	simm.s32 $0xA400;
	[sflag:s9] =	ssyncset.done $0x0  }
0x10e: {  	s0 =	simm.s32 $0x4400;
	[sflag:s9] =	ssyncadd.s32 $0xFFFFFF00;
	s24 =	simm.s32 $0x400  }
0x10f: {  	_ =	sfence.sel $0x180000  }
0x110: {  	[bflag:$0x0] =	sbarrier.arrive $0xFFFF  }
0x111: {  	_ =	strace $0x90000047  }
0x112: {  	s0 =	stileid.u32;
	[bflag:$0x2] =	sbarrier.arrive $0xFFFF  }
0x113: {  	p0 =	sne.s32 s0, $0x0;
	s0 =	rddreg [dreg:$0x2]  }
0x114: {  	s0 =	sadd.s32 @!p0 $0x100000, s0  }
0x115: {  	[sflag:s0] =	ssyncadd.tile.s32 @!p0 $0x1;
	_ =	shalt  }
.Lfunc_end2:
_tile_overlayer_lowered:
.L_overlay_start_2:
0x116: {  	(tag) =	ssettag $0x2  }
0x117: {  	s0 =	rddreg [dreg:$0x0];
	s2 =	stileid.u32  }
0x118: {  	s1 =	rddreg [dreg:$0x1];
	p0 =	sne.s32 s2, $0x0  }
0x119: {  	s3 =	rddreg [dreg:$0x2];
	[bflag:$0x3] =	sbarrier.arrive $0xFFFF;
	s2 =	simm.s32 @!p0 $0x1C0D  }
0x11a: {  	[timem:s3], [sflag:s2] =	dma.local @!p0 [hbm:s0], s1  }
0x11b: {  	s0 =	simm.s32 @!p0 $0xD  }
0x11c: {  	_ =	swait.ge @!p0 [sflag:s0], s1  }
0x11d: {  	s1 =	ssub.s32 @!p0 $0x0, s1;
	[sflag:s0] =	ssyncset.done @!p0 $0x0  }
0x11e: {  	[sflag:s0] =	ssyncadd.s32 @!p0 s1  }
0x11f: {  	[bflag:$0x3] =	sbarrier.arrive $0xFFFF  }
0x120: {  	_ =	shalt  }

// kernel: sparse-core-data-format-call.cloned.1.call-start
scs
called_computation_lowered:
.L_overlay_start_0:
0x0: {  	s2 =	sld [smem:$0x3FD9]  }
0x1: {  	s3 =	sld [smem:$0x3FFE];
	_ =	sdelay $0x1  }
0x2: {  	s1 =	srdreg.scid  }
0x3: {  	s0 =	sand.u32 $0x1, s1  }
0x4: {  	s18 =	sshll.u32 s0, $0xA;
	s2 =	sadd.s32 s3, s2  }
0x5: {  	s2 =	sadd.s32 s2, s18  }
0x6: {  	[smem:$0x3FC6] =	sst s2  }
0x7: {  	_ = 	snop  }
0x8: {  	s2 =	sld [smem:$0x3FD0];
	(tm) =	ssettm $0x1  }
0x9: {  	s19 =	sld [smem:$0x3FFB];
	_ =	sdelay $0x3  }
0xa: {  	_ =	strace s19  }
0xb: {  	s3 =	sld [smem:$0x3FFC];
	_ =	sdelay $0x3  }
0xc: {  	_ =	strace s3  }
0xd: {  	s3 =	sld [smem:$0x3FFD];
	_ =	sdelay $0x3  }
0xe: {  	_ =	strace s3  }
0xf: {  	_ =	strace $0x8FFFFFFF  }
0x10: {  	s20 =	sld [smem:$0x3FDB];
	_ =	sdelay $0x1  }
0x11: {  	s4 =	simm.s32 $_scs_section_size  }
0x12: {  	s5 =	simm.s32 $_size__tile_overlayer_lowered;
	s6 =	simm.s32 $_tile_overlayer_lowered  }
0x13: {  	s23 =	simm.s32 $0x1BFF;
	s22 =	sshll.u32 s6, $0x1;
	s3 =	sadd.s32 s4, s20  }
0x14: {  	s7 =	simm.s32 $0x0;
	s21 =	sshll.u32 s5, $0x1;
	s5 =	sadd.s32 s22, s3  }
0x15: {  	[timem:s7], [sflag:s23] =	dma.local [hbm:s5], s21  }
0x16: {  	_ =	swait.ge [sflag:s23], s21  }
0x17: {  	s4 =	ssub.s32 $0x0, s21;
	[sflag:s23] =	ssyncset.done $0x0  }
0x18: {  	[sflag:s23] =	ssyncadd.s32 s4;
	_ =	sdelay $0x1  }
0x19: {  	s24 =	simm.s32 $0x1B8B  }
0x1a: {  	_ =	swait.ge [sflag:s24], $0x1  }
0x1b: {  	[sflag:s24] =	ssyncset.done $0x0  }
0x1c: {  	s26 =	simm.s32 $0x1B8E;
	s25 =	sld [smem:$0x3FFE];
	[sflag:s24] =	ssyncadd.s32 $0xFFFFFFFF  }
0x1d: {  	s27 =	simm.s32 $execute0_lowered;
	[smem:$0x3FD2] =	sst s26  }
0x1e: {  	s5 =	sshll.u32 s27, $0x1;
	_ =	strace $0x80000049;
	[dreg:$0x1] =	wrdreg $0xFFFFFFFF  }
0x1f: {  	s28 =	simm.s32 $_size_execute0_lowered;
	s3 =	sadd.s32 s3, s5;
	[dreg:$0x0] =	wrdreg $0x0  }
0x20: {  	s5 =	sshll.u32 s28, $0x1;
	[dreg:$0x2] =	wrdreg s3  }
0x21: {  	[dreg:$0x3] =	wrdreg s5  }
0x22: {  	[dreg:$0x4] =	wrdreg $0xC0  }
0x23: {  	_ =	task [dreg:s7], $0x5FFFF  }
0x24: {  	[dreg:$0x1] =	wrdreg $0xFFFFFFFF  }
0x25: {  	[dreg:$0x0] =	wrdreg $0x60  }
0x26: {  	[dreg:$0x2] =	wrdreg s25  }
0x27: {  	[dreg:$0x3] =	wrdreg s2  }
0x28: {  	[dreg:$0x4] =	wrdreg $0x9  }
0x29: {  	_ =	task.clear_ibuf [dreg:s7], $0x5FFFF;
	_ =	strace $0x90000049  }
0x2a: {  	s29 =	simm.s32 $0x9;
	_ =	strace $0x8000004B  }
0x2b: {  	_ =	swait.ge [sflag:s29], $0x1  }
0x2c: {  	[sflag:s29] =	ssyncadd.s32 $0xFFFFFFFF  }
0x2d: {  	_ =	strace $0x9000004B  }
0x2e: {  	_ =	sfence  }
0x2f: {  	s30 =	sld [smem:$0x0];
	_ =	sdelay $0x2  }
0x30: {  	s31 =	sshll.u32 s1, $0xD;
	s1 =	sshrl.u32 s1, $0x2  }
0x31: {  	s3 =	sand.u32 $0x4000, s31;
	s1 =	sadd.s32 s1, s30  }
0x32: {  	s0 =	sor.u32 s3, s0;
	s1 =	sshll.u32 s1, $0x11  }
0x33: {  	s0 =	sor.u32 s1, s0  }
0x34: {  	s0 =	sadd.s32 $0x8F2B, s0  }
0x35: {  	[sflag:s0] =	ssyncadd.remote.s32 $0x1  }
0x36: {  	_ =	sfence.sel $0xFFFF  }
0x37: {  	[dreg:$0x0] =	wrdreg $0xFFFFFFFF;
	(pc) =	sbr.abs _section_cstart, $3  }
0x38: {  	[dreg:$0x1] =	wrdreg $0xFFFFFFFF  }
0x39: {  	_ =	task.clear_ibuf [dreg:s7], $0x2FFFF;
	_ =	strace $0x9FFFFFFF  }
0x3a: {  	(tm) =	ssettm $0x7FFFFFFF  }
0x3b: {  	_ =	shalt  }
tec
execute0_lowered:
.L_overlay_start_1:
0x0: {  	(tag) =	ssettag $0x1  }
0x1: {  	s0 =	srdreg.scid  }
0x2: {  	s1 =	sshll.u32 s0, $0x4  }
0x3: {  	s4 =	rddreg [dreg:$0x0];
	s0 =	stileid.u32;
	s1 =	sand.u32 $0x10, s1  }
0x4: {  	s2 =	rddreg [dreg:$0x1];
	s7 =	simm.s32 $0x1;
	s1 =	sor.u32 s0, s1  }
0x5: {  	s8 =	simm.s32 $0x2;
	s11 =	simm.s32 $0x0;
	s3 =	sshll.u32 s1, $0x7  }
0x6: {  	s10 =	simm.s32 $0x0;
	s4 =	sadd.s32 $0x800, s4;
	s6 =	ssub.s32 $0xC8000, s3  }
.Ltmp0:
0x7: {  	s1 =	rddreg [dreg:$0x2];
	s5 =	sand.u32 $0xF80, s6;
	(pc) =	sbr.rel .LBB1_1-.Ltmp0, $4  }
0x8: {  	_ =	strace $0x8000004A;
	s9 =	smov.u32 s3;
	p0 =	sne.s32 s5, $0x0  }
0x9: {  	s6 =	sshrl.u32 s6, $0xC;
	s5 =	simm.s32 $0x1;
	s7 =	simm.s32 @!p0 $0x0  }
0xa: {  	[sflag:s5] =	ssyncpa.u1 $0x0;
	p0 =	por $0x0, $0x0;
	s6 =	sadd.s32 s7, s6  }
0xb: {  	[sflag:s8] =	ssyncpa.u1 $0x0;
	s8 =	simm.s32 $0x640000;
	s7 =	sadd.s32 $0x1, s6  }
.LBB1_4:
0xc: {  	s14 =	sshll.u32 s11, $0x3  }
0xd: {  	s30 =	sand.u32 $0x7F, s11;
	s15 =	sand.u32 $0xFFFFFC00, s14  }
0xe: {  	s11 =	sor.u32 s30, s15  }
0xf: {  	s15 =	smulhi.u32 $0x51EB851F, s11  }
0x10: {  	s14 =	smulhi.u32 $0x51EB851F, s14  }
0x11: {  	s15 =	sshrl.u32 s15, $0x12  }
0x12: {  	s14 =	sshrl.u32 s14, $0x12;
	s15 =	smul.u32 $0xC8000, s15  }
0x13: {  	s14 =	sand.u32 $0x3F, s14  }
0x14: {  	s14 =	smul.u32 $0x19000, s14;
	s11 =	ssub.s32 s11, s15  }
0x15: {  	[tilespmem:s13+$0x810 ss:$0x81] =	vst.msk $0xffff, v2;
	s15 =	sand.u32 $0x7, s11  }
0x16: {  	[tilespmem:s13+$0x1020 ss:$0x81] =	vst.msk $0xffff, v0;
	s14 =	sadd.s32 s2, s14;
	s11 =	sshrl.u32 s11, $0x3;
	s15 =	sshll.u32 s15, $0x12  }
0x17: {  	[tilespmem:s13+$0x0 ss:$0x81] =	vst.msk $0xffff, v1;
	s11 =	sadd.s32 s11, s14;
	s31 =	sor.u32 $0x400, s15  }
0x18: {  	[hbm4b:s11+s31] =	stream.strided.scatter [tilespmem:s12], [sflag:$0x2], $0x2000, s8, s31, $0x20;
	[tilespmem:$0x8080] =	vst v63  }
.LBB1_5:
0x19: {  	s13 =	sadd.s32 $0x1000, s9  }
0x1a: {  	p2 =	sgt.s32 s13, $0xC7FFF  }
0x1b: {  	s13 =	smov.u32 @p2 s3;
	p2 =	sne.s32 s10, s7  }
.Ltmp1:
0x1c: {  	p1 =	slt.u32 s10, $0x2;
	(pc) =	sbr.rel @!p2 .LBB1_6-.Ltmp1, $4  }
0x1d: {  	s12 =	simm.s32 @!p1 $0x2  }
0x1e: {  	s14 =	sadd.s32 $0x1, s10;
	_ =	swait.ge @!p1 [sflag:s12], $0x2000  }
0x1f: {  	s11 =	smov.u32 s9;
	p0 =	por !p0, !p0;
	[sflag:s12] =	ssyncset.done @!p1 $0x0  }
0x20: {  	s10 =	smov.u32 s14;
	s9 =	smov.u32 s13;
	[sflag:s12] =	ssyncadd.s32 @!p1 $0xFFFFE000  }
.LBB1_1:
0x21: {  	p1 =	sge.u32 s10, s6  }
0x22: {  	s12 =	sand.u32 @!p1 $0x1FFFFFF, s9  }
0x23: {  	s13 =	smulhi.u32 @!p1 $0x147AE15, s12;
	_ =	sdelay $0x1  }
0x24: {  	s13 =	sshrl.u32 @!p1 s13, $0xC  }
0x25: {  	s13 =	smul.u32 @!p1 $0xC8000, s13;
	_ =	sdelay $0x1  }
0x26: {  	s31 =	sadd.s32 $0xFFFFFFFF, s10;
	s14 =	sxor.u32 @!p1 $0xFFFFFFFF, s10;
	s12 =	ssub.s32 @!p1 s12, s13  }
0x27: {  	s15 =	simm.s32 @!p1 $0x80;
	s14 =	sshll.u32 @!p1 s14, $0xD;
	s12 =	sshll.u32 @!p1 s12, $0x4  }
0x28: {  	s13 =	sand.u32 @!p1 $0x2000, s14;
	s14 =	simm.s32 @!p1 $0x40;
	s12 =	sadd.s32 @!p1 s4, s12  }
0x29: {  	[tilespmem:s13], [sflag:$0x1] =	stream.strided.gather @!p1 [hbm4b:s12+s14], $0x2000, s15, s14, $0x38;
	[tilespmem:$0x8080] =	vst v63  }
0x2a: {  	p1 =	sge.u32 s31, s6  }
.Ltmp2:
0x2b: {  	_ = 	snop;
	(pc) =	sbr.rel @p1 .LBB1_5-.Ltmp2, $1  }
0x2c: {  	_ =	sdelay $0x3  }
0x2d: {  	s12 =	simm.s32 $0x1  }
0x2e: {  	_ =	swait.ge [sflag:s5], $0x2000;
	s12 =	simm.s32 @!p0 $0x0  }
0x2f: {  	[sflag:s5] =	ssyncset.done $0x0;
	s13 =	sshll.u32 s12, $0xD  }
0x30: {  	[sflag:s5] =	ssyncadd.s32 $0xFFFFE000;
	s16 =	sor.u32 $0x20, s13  }
0x31: {  	s12 =	smul.u32 $0x8100, s12;
	v3 =	vld [tilespmem:s16+$0x10]  }
0x32: {  	s30 =	sand.u32 $0x1, s10;
	v2 =	vld [tilespmem:s16+$0xFFFFFFF0]  }
0x33: {  	s13 =	smul.u32 $0x8100, s30;
	s12 =	sshrl.u32 s12, $0x2;
	v0 =	vld [tilespmem:s16+$0x0]  }
0x34: {  	v1 =	vld [tilespmem:s16+$0xFFFFFFE0];
	s14 =	sor.u32 $0x4000, s12  }
0x35: {  	s31 =	sshrl.u32 s13, $0x2;
	s13 =	sadd.s32 $0x0, s14  }
0x36: {  	s15 =	simm.s32 $0x4;
	s16 =	sadd.s32 $0x40, s16;
	s12 =	sor.u32 $0x4000, s31;
	[tilespmem:s13+$0x1830 ss:$0x81] =	vst.msk $0xffff, v3  }
.LBB1_3:
0x37: {  	v3 =	vld [tilespmem:s16+$0x10];
	p1 =	sne.s32 s15, $0x1FC;
	[tilespmem:s13+$0x810 ss:$0x81] =	vst.msk $0xffff, v2;
	s17 =	smov.u32 s15;
	s15 =	sadd.s32 $0x4, s15  }
.Ltmp3:
0x38: {  	v2 =	vld [tilespmem:s16+$0xFFFFFFF0];
	[tilespmem:s13+$0x1020 ss:$0x81] =	vst.msk $0xffff, v0;
	(pc) =	sbr.rel @p1 .LBB1_3-.Ltmp3, $4  }
0x39: {  	v0 =	vld [tilespmem:s16+$0x0];
	[tilespmem:s13+$0x0 ss:$0x81] =	vst.msk $0xffff, v1  }
0x3a: {  	s13 =	sshra.s32 s17, $0x2;
	v1 =	vld [tilespmem:s16+$0xFFFFFFE0]  }
0x3b: {  	s13 =	sadd.s32 s13, s14  }
0x3c: {  	s16 =	sadd.s32 $0x40, s16;
	[tilespmem:s13+$0x1830 ss:$0x81] =	vst.msk $0xffff, v3  }
.Ltmp4:
0x3d: {  	_ = 	snop;
	(pc) =	sbr.rel .LBB1_4-.Ltmp4, $1  }
0x3e: {  	_ =	sdelay $0x3  }
.LBB1_6:
0x3f: {  	_ =	sfence.sel $0x180000  }
0x40: {  	s2 =	simm.s32 $0x1;
	[bflag:$0x0] =	sbarrier.arrive $0xFFFF  }
0x41: {  	s31 =	simm.s32 $0x2;
	[sflag:s2] =	ssyncpa.u1 $0x1  }
0x42: {  	[sflag:s31] =	ssyncpa.u1 $0x1  }
0x43: {  	p0 =	sne.s32 s0, $0x0;
	_ =	strace $0x9000004A  }
0x44: {  	s0 =	sadd.s32 @!p0 $0x100000, s1;
	[bflag:$0x2] =	sbarrier.arrive $0xFFFF  }
0x45: {  	[sflag:s0] =	ssyncadd.tile.s32 @!p0 $0x1;
	_ =	shalt  }
.Lfunc_end1:
_tile_overlayer_lowered:
.L_overlay_start_2:
0x46: {  	(tag) =	ssettag $0x2  }
0x47: {  	s0 =	rddreg [dreg:$0x0];
	s2 =	stileid.u32  }
0x48: {  	s1 =	rddreg [dreg:$0x1];
	p0 =	sne.s32 s2, $0x0  }
0x49: {  	s3 =	rddreg [dreg:$0x2];
	[bflag:$0x3] =	sbarrier.arrive $0xFFFF;
	s2 =	simm.s32 @!p0 $0x1C01  }
0x4a: {  	[timem:s3], [sflag:s2] =	dma.local @!p0 [hbm:s0], s1  }
0x4b: {  	s0 =	simm.s32 @!p0 $0x1  }
0x4c: {  	_ =	swait.ge @!p0 [sflag:s0], s1  }
0x4d: {  	s1 =	ssub.s32 @!p0 $0x0, s1;
	[sflag:s0] =	ssyncset.done @!p0 $0x0  }
0x4e: {  	[sflag:s0] =	ssyncadd.s32 @!p0 s1  }
0x4f: {  	[bflag:$0x3] =	sbarrier.arrive $0xFFFF  }
0x50: {  	_ =	shalt  }

</sc_bundles>
